<compile_context>
chip_gen: v7x
topology: tpu7x:2x2x1
jax: 0.10.2.dev20260603
libtpu: 0.0.44.dev20260713+nightly
codegen_flags: <defaults>
</compile_context>

<pallas_src>
import functools

import jax
import jax.numpy as jnp
from jax import lax
from jax.experimental import pallas as pl
from jax.experimental.pallas import tpu as pltpu
from jax.experimental.pallas import tpu_sc as plsc

_NUM_WORKERS = 32
_LANES = 16


def kernel(x, row_embed, col_embed):
    b, _, h, w = x.shape
    n_rows, d = col_embed.shape
    c_total = 2 * d

    mesh = plsc.VectorSubcoreMesh(core_axis_name="c", subcore_axis_name="s")

    @functools.partial(
        pl.kernel,
        mesh=mesh,
        out_type=jax.ShapeDtypeStruct((b, h, w, c_total), jnp.float32),
        scratch_types=[
            pltpu.VMEM((d,), jnp.float32),
            pltpu.VMEM((w, c_total), jnp.float32),
            pltpu.SemaphoreType.DMA,
        ],
        compiler_params=pltpu.CompilerParams(needs_layout_passes=False),
    )
    def pos_kernel(row_hbm, col_hbm, out_hbm, row_v, blk, sem):
        wid = lax.axis_index("s") * 2 + lax.axis_index("c")
        hh = wid

        pltpu.sync_copy(col_hbm.at[pl.ds(0, w), :], blk.at[:, pl.ds(0, d)])
        pltpu.sync_copy(row_hbm.at[hh], row_v)

        segs = [row_v[pl.ds(k * _LANES, _LANES)] for k in range(d // _LANES)]

        def w_body(ww, carry):
            for k, v in enumerate(segs):
                blk[ww, pl.ds(d + k * _LANES, _LANES)] = v
            return carry

        lax.fori_loop(0, w, w_body, 0)

        copies = [
            pltpu.async_copy(blk, out_hbm.at[bb, hh], sem) for bb in range(b)
        ]
        for cp in copies:
            cp.wait()

    out = pos_kernel(row_embed, col_embed)
    return jnp.transpose(out, (0, 3, 1, 2))

# --- scband reference (transcript-rebuilt; emitter-appended) ---
"""Pipeline reference for scband-position-embedding-learned-704374636861 (READ-ONLY COPY).

The authoritative reference and input builder live on the scoring server;
editing this copy changes nothing except your own understanding.
"""

import jax, jax.numpy as jnp
import numpy as np

NUM_POS_FEATS = 256

def setup_inputs(seed: int = 0) -> dict:
    key = jax.random.key(seed)
    k1, k2, k3 = jax.random.split(key, 3)
    x = jax.random.normal(k1, (16, 768, 32, 32), dtype=jnp.float32)
    # nn.init.uniform_ defaults to U[0, 1)
    row_embed = jax.random.uniform(k2, (50, NUM_POS_FEATS), dtype=jnp.float32)
    col_embed = jax.random.uniform(k3, (50, NUM_POS_FEATS), dtype=jnp.float32)
    return {"x": x, "row_embed": row_embed, "col_embed": col_embed}

def reference(x, row_embed, col_embed):
    b, _, h, w = x.shape
    i = jnp.arange(w)
    j = jnp.arange(h)
    x_emb = jnp.take(col_embed, i, axis=0)  # [w, d]
    y_emb = jnp.take(row_embed, j, axis=0)  # [h, d]
    d = x_emb.shape[-1]
    x_part = jnp.broadcast_to(x_emb[None, :, :], (h, w, d))   # repeat over rows
    y_part = jnp.broadcast_to(y_emb[:, None, :], (h, w, d))   # repeat over cols
    pos = jnp.concatenate([x_part, y_part], axis=-1)          # [h, w, 2d]
    pos = jnp.transpose(pos, (2, 0, 1))[None, :, :, :]        # [1, 2d, h, w]
    pos = jnp.broadcast_to(pos, (b, 2 * d, h, w))
    return pos

if __name__ == "__main__":
    import jax
    _d = setup_inputs()
    print(jax.jit(kernel)(*tuple(_d.values())))

</pallas_src>

<mosaic_0001>
#map = affine_map<(d0, d1) -> (0, 0)>
#map1 = affine_map<(d0, d1) -> (0, 0, 0, 0)>
module attributes {stable_mosaic.version = 14 : i64} {
  func.func @pos_kernel(%arg0: i32, %arg1: i32, %arg2: memref<50x256xf32, #tpu.memory_space<hbm>>, %arg3: memref<50x256xf32, #tpu.memory_space<hbm>>, %arg4: memref<16x32x32x512xf32, #tpu.memory_space<hbm>>, %arg5: memref<256xf32, #tpu.memory_space<vmem>>, %arg6: memref<32x512xf32, #tpu.memory_space<vmem>>, %arg7: memref<!tpu.dma_semaphore, #tpu.memory_space<semaphore_mem>>) attributes {dimension_semantics = [#tpu.dimension_semantics<core_parallel>, #tpu.dimension_semantics<subcore_parallel>], iteration_bounds = array<i64: 2, 16>, scalar_prefetch = 0 : i64, scratch_operands = 3 : i64, tpu.core_type = #tpu.core_type<sc_vector_subcore>, window_params = [{transform_indices = #map}, {transform_indices = #map}, {transform_indices = #map1}]} {
    %mul3A = arith.constant 2 : i32
    %mul3A_0 = arith.muli %arg1, %mul3A : i32
    %add3A = arith.addi %mul3A_0, %arg0 : i32
    "tpu.region"() ({
      %run_scoped3A = tpu.sem_alloc : memref<!tpu.dma_semaphore, #tpu.memory_space<semaphore_mem>>
      %dma_start3A_323 = arith.constant 0 : i32
      %dma_start3A_324 = arith.constant 0 : i32
      %dma_start3A_325 = tpu.memref_slice %arg6[%dma_start3A_323, %dma_start3A_324] : memref<32x512xf32, #tpu.memory_space<vmem>> -> memref<32x256xf32, #tpu.memory_space<vmem>>
      %dma_start3A_326 = arith.constant 0 : i32
      %dma_start3A_327 = arith.constant 0 : i32
      %dma_start3A_328 = tpu.memref_slice %arg3[%dma_start3A_326, %dma_start3A_327] : memref<50x256xf32, #tpu.memory_space<hbm>> -> memref<32x256xf32, #tpu.memory_space<hbm>>
      %dma_start3A_329 = arith.constant 0 : i32
      %dma_start3A_330 = arith.constant 0 : i32
      %dma_start3A_331 = tpu.memref_slice %arg6[%dma_start3A_329, %dma_start3A_330] : memref<32x512xf32, #tpu.memory_space<vmem>> -> memref<32x256xf32, #tpu.memory_space<vmem>>
      %dma_start3A_332 = arith.constant 0 : i32
      %dma_start3A_333 = arith.constant 0 : i32
      %dma_start3A_334 = tpu.memref_slice %arg3[%dma_start3A_332, %dma_start3A_333] : memref<50x256xf32, #tpu.memory_space<hbm>> -> memref<32x256xf32, #tpu.memory_space<hbm>>
      tpu.enqueue_dma source(%dma_start3A_334 : memref<32x256xf32, #tpu.memory_space<hbm>>) target(%dma_start3A_331 : memref<32x256xf32, #tpu.memory_space<vmem>>) target_semaphore(%run_scoped3A : memref<!tpu.dma_semaphore, #tpu.memory_space<semaphore_mem>>)
      %dma_wait3A_335 = arith.constant 0 : i32
      %dma_wait3A_336 = arith.constant 0 : i32
      %dma_wait3A_337 = tpu.memref_slice %arg6[%dma_wait3A_335, %dma_wait3A_336] : memref<32x512xf32, #tpu.memory_space<vmem>> -> memref<32x256xf32, #tpu.memory_space<vmem>>
      %dma_wait3A_338 = arith.constant 0 : i32
      %dma_wait3A_339 = arith.constant 0 : i32
      %dma_wait3A_340 = tpu.memref_slice %arg3[%dma_wait3A_338, %dma_wait3A_339] : memref<50x256xf32, #tpu.memory_space<hbm>> -> memref<32x256xf32, #tpu.memory_space<hbm>>
      %dma_wait3A_341 = arith.constant 0 : i32
      %dma_wait3A_342 = arith.constant 0 : i32
      %dma_wait3A_343 = tpu.memref_slice %arg6[%dma_wait3A_341, %dma_wait3A_342] : memref<32x512xf32, #tpu.memory_space<vmem>> -> memref<32x256xf32, #tpu.memory_space<vmem>>
      %dma_wait3A_344 = arith.constant 0 : i32
      %dma_wait3A_345 = arith.constant 0 : i32
      %dma_wait3A_346 = tpu.memref_slice %arg3[%dma_wait3A_344, %dma_wait3A_345] : memref<50x256xf32, #tpu.memory_space<hbm>> -> memref<32x256xf32, #tpu.memory_space<hbm>>
      tpu.wait_dma2 semaphore(%run_scoped3A : memref<!tpu.dma_semaphore, #tpu.memory_space<semaphore_mem>>) src(%dma_wait3A_346 : memref<32x256xf32, #tpu.memory_space<hbm>>) dst(%dma_wait3A_343 : memref<32x256xf32, #tpu.memory_space<vmem>>)
      tpu.yield
    }) : () -> ()
    "tpu.region"() ({
      %run_scoped3A = tpu.sem_alloc : memref<!tpu.dma_semaphore, #tpu.memory_space<semaphore_mem>>
      %dma_start3A_323 = arith.constant 0 : i32
      %dma_start3A_324 = tpu.memref_slice %arg2[%add3A, %dma_start3A_323] : memref<50x256xf32, #tpu.memory_space<hbm>> -> memref<1x256xf32, #tpu.memory_space<hbm>>
      %dma_start3A_325 = tpu.memref_squeeze %dma_start3A_324 : memref<1x256xf32, #tpu.memory_space<hbm>> -> memref<256xf32, #tpu.memory_space<hbm>>
      %dma_start3A_326 = arith.constant 0 : i32
      %dma_start3A_327 = tpu.memref_slice %arg2[%add3A, %dma_start3A_326] : memref<50x256xf32, #tpu.memory_space<hbm>> -> memref<1x256xf32, #tpu.memory_space<hbm>>
      %dma_start3A_328 = tpu.memref_squeeze %dma_start3A_327 : memref<1x256xf32, #tpu.memory_space<hbm>> -> memref<256xf32, #tpu.memory_space<hbm>>
      tpu.enqueue_dma source(%dma_start3A_328 : memref<256xf32, #tpu.memory_space<hbm>>) target(%arg5 : memref<256xf32, #tpu.memory_space<vmem>>) target_semaphore(%run_scoped3A : memref<!tpu.dma_semaphore, #tpu.memory_space<semaphore_mem>>)
      %dma_wait3A_329 = arith.constant 0 : i32
      %dma_wait3A_330 = tpu.memref_slice %arg2[%add3A, %dma_wait3A_329] : memref<50x256xf32, #tpu.memory_space<hbm>> -> memref<1x256xf32, #tpu.memory_space<hbm>>
      %dma_wait3A_331 = tpu.memref_squeeze %dma_wait3A_330 : memref<1x256xf32, #tpu.memory_space<hbm>> -> memref<256xf32, #tpu.memory_space<hbm>>
      %dma_wait3A_332 = arith.constant 0 : i32
      %dma_wait3A_333 = tpu.memref_slice %arg2[%add3A, %dma_wait3A_332] : memref<50x256xf32, #tpu.memory_space<hbm>> -> memref<1x256xf32, #tpu.memory_space<hbm>>
      %dma_wait3A_334 = tpu.memref_squeeze %dma_wait3A_333 : memref<1x256xf32, #tpu.memory_space<hbm>> -> memref<256xf32, #tpu.memory_space<hbm>>
      tpu.wait_dma2 semaphore(%run_scoped3A : memref<!tpu.dma_semaphore, #tpu.memory_space<semaphore_mem>>) src(%dma_wait3A_334 : memref<256xf32, #tpu.memory_space<hbm>>) dst(%arg5 : memref<256xf32, #tpu.memory_space<vmem>>)
      tpu.yield
    }) : () -> ()
    %get3A = arith.constant 0 : index
    %get3A_1 = tpu.vector_load %arg5[%get3A] {strides = array<i32>} : memref<256xf32, #tpu.memory_space<vmem>>, vector<16xf32>,
    %get3A_2 = arith.constant 16 : index
    %get3A_3 = tpu.vector_load %arg5[%get3A_2] {strides = array<i32>} : memref<256xf32, #tpu.memory_space<vmem>>, vector<16xf32>,
    %get3A_4 = arith.constant 32 : index
    %get3A_5 = tpu.vector_load %arg5[%get3A_4] {strides = array<i32>} : memref<256xf32, #tpu.memory_space<vmem>>, vector<16xf32>,
    %get3A_6 = arith.constant 48 : index
    %get3A_7 = tpu.vector_load %arg5[%get3A_6] {strides = array<i32>} : memref<256xf32, #tpu.memory_space<vmem>>, vector<16xf32>,
    %get3A_8 = arith.constant 64 : index
    %get3A_9 = tpu.vector_load %arg5[%get3A_8] {strides = array<i32>} : memref<256xf32, #tpu.memory_space<vmem>>, vector<16xf32>,
    %get3A_10 = arith.constant 80 : index
    %get3A_11 = tpu.vector_load %arg5[%get3A_10] {strides = array<i32>} : memref<256xf32, #tpu.memory_space<vmem>>, vector<16xf32>,
    %get3A_12 = arith.constant 96 : index
    %get3A_13 = tpu.vector_load %arg5[%get3A_12] {strides = array<i32>} : memref<256xf32, #tpu.memory_space<vmem>>, vector<16xf32>,
    %get3A_14 = arith.constant 112 : index
    %get3A_15 = tpu.vector_load %arg5[%get3A_14] {strides = array<i32>} : memref<256xf32, #tpu.memory_space<vmem>>, vector<16xf32>,
    %get3A_16 = arith.constant 128 : index
    %get3A_17 = tpu.vector_load %arg5[%get3A_16] {strides = array<i32>} : memref<256xf32, #tpu.memory_space<vmem>>, vector<16xf32>,
    %get3A_18 = arith.constant 144 : index
    %get3A_19 = tpu.vector_load %arg5[%get3A_18] {strides = array<i32>} : memref<256xf32, #tpu.memory_space<vmem>>, vector<16xf32>,
    %get3A_20 = arith.constant 160 : index
    %get3A_21 = tpu.vector_load %arg5[%get3A_20] {strides = array<i32>} : memref<256xf32, #tpu.memory_space<vmem>>, vector<16xf32>,
    %get3A_22 = arith.constant 176 : index
    %get3A_23 = tpu.vector_load %arg5[%get3A_22] {strides = array<i32>} : memref<256xf32, #tpu.memory_space<vmem>>, vector<16xf32>,
    %get3A_24 = arith.constant 192 : index
    %get3A_25 = tpu.vector_load %arg5[%get3A_24] {strides = array<i32>} : memref<256xf32, #tpu.memory_space<vmem>>, vector<16xf32>,
    %get3A_26 = arith.constant 208 : index
    %get3A_27 = tpu.vector_load %arg5[%get3A_26] {strides = array<i32>} : memref<256xf32, #tpu.memory_space<vmem>>, vector<16xf32>,
    %get3A_28 = arith.constant 224 : index
    %get3A_29 = tpu.vector_load %arg5[%get3A_28] {strides = array<i32>} : memref<256xf32, #tpu.memory_space<vmem>>, vector<16xf32>,
    %get3A_30 = arith.constant 240 : index
    %get3A_31 = tpu.vector_load %arg5[%get3A_30] {strides = array<i32>} : memref<256xf32, #tpu.memory_space<vmem>>, vector<16xf32>,
    %scan3A = arith.constant 0 : i32
    %scan3A_32 = arith.constant 0 : i32
    %scan3A_33 = arith.constant 32 : i32
    %scan3A_34 = arith.addi %scan3A_32, %scan3A_33 : i32
    %scan3A_35 = arith.constant 1 : i32
    scf.for %scan3A_323 = %scan3A_32 to %scan3A_34 step %scan3A_35  : i32 {
      %swap3A = arith.index_cast %scan3A_323 : i32 to index
      %swap3A_324 = arith.constant 256 : index
      %swap3A_325 = tpu.vector_load %arg6[%swap3A, %swap3A_324] {strides = array<i32>} : memref<32x512xf32, #tpu.memory_space<vmem>>, vector<16xf32>,
      tpu.vector_store %arg6[%swap3A, %swap3A_324], %get3A_1 {strides = array<i32>} : memref<32x512xf32, #tpu.memory_space<vmem>>, vector<16xf32>,
      %swap3A_326 = arith.index_cast %scan3A_323 : i32 to index
      %swap3A_327 = arith.constant 272 : index
      %swap3A_328 = tpu.vector_load %arg6[%swap3A_326, %swap3A_327] {strides = array<i32>} : memref<32x512xf32, #tpu.memory_space<vmem>>, vector<16xf32>,
      tpu.vector_store %arg6[%swap3A_326, %swap3A_327], %get3A_3 {strides = array<i32>} : memref<32x512xf32, #tpu.memory_space<vmem>>, vector<16xf32>,
      %swap3A_329 = arith.index_cast %scan3A_323 : i32 to index
      %swap3A_330 = arith.constant 288 : index
      %swap3A_331 = tpu.vector_load %arg6[%swap3A_329, %swap3A_330] {strides = array<i32>} : memref<32x512xf32, #tpu.memory_space<vmem>>, vector<16xf32>,
      tpu.vector_store %arg6[%swap3A_329, %swap3A_330], %get3A_5 {strides = array<i32>} : memref<32x512xf32, #tpu.memory_space<vmem>>, vector<16xf32>,
      %swap3A_332 = arith.index_cast %scan3A_323 : i32 to index
      %swap3A_333 = arith.constant 304 : index
      %swap3A_334 = tpu.vector_load %arg6[%swap3A_332, %swap3A_333] {strides = array<i32>} : memref<32x512xf32, #tpu.memory_space<vmem>>, vector<16xf32>,
      tpu.vector_store %arg6[%swap3A_332, %swap3A_333], %get3A_7 {strides = array<i32>} : memref<32x512xf32, #tpu.memory_space<vmem>>, vector<16xf32>,
      %swap3A_335 = arith.index_cast %scan3A_323 : i32 to index
      %swap3A_336 = arith.constant 320 : index
      %swap3A_337 = tpu.vector_load %arg6[%swap3A_335, %swap3A_336] {strides = array<i32>} : memref<32x512xf32, #tpu.memory_space<vmem>>, vector<16xf32>,
      tpu.vector_store %arg6[%swap3A_335, %swap3A_336], %get3A_9 {strides = array<i32>} : memref<32x512xf32, #tpu.memory_space<vmem>>, vector<16xf32>,
      %swap3A_338 = arith.index_cast %scan3A_323 : i32 to index
      %swap3A_339 = arith.constant 336 : index
      %swap3A_340 = tpu.vector_load %arg6[%swap3A_338, %swap3A_339] {strides = array<i32>} : memref<32x512xf32, #tpu.memory_space<vmem>>, vector<16xf32>,
      tpu.vector_store %arg6[%swap3A_338, %swap3A_339], %get3A_11 {strides = array<i32>} : memref<32x512xf32, #tpu.memory_space<vmem>>, vector<16xf32>,
      %swap3A_341 = arith.index_cast %scan3A_323 : i32 to index
      %swap3A_342 = arith.constant 352 : index
      %swap3A_343 = tpu.vector_load %arg6[%swap3A_341, %swap3A_342] {strides = array<i32>} : memref<32x512xf32, #tpu.memory_space<vmem>>, vector<16xf32>,
      tpu.vector_store %arg6[%swap3A_341, %swap3A_342], %get3A_13 {strides = array<i32>} : memref<32x512xf32, #tpu.memory_space<vmem>>, vector<16xf32>,
      %swap3A_344 = arith.index_cast %scan3A_323 : i32 to index
      %swap3A_345 = arith.constant 368 : index
      %swap3A_346 = tpu.vector_load %arg6[%swap3A_344, %swap3A_345] {strides = array<i32>} : memref<32x512xf32, #tpu.memory_space<vmem>>, vector<16xf32>,
      tpu.vector_store %arg6[%swap3A_344, %swap3A_345], %get3A_15 {strides = array<i32>} : memref<32x512xf32, #tpu.memory_space<vmem>>, vector<16xf32>,
      %swap3A_347 = arith.index_cast %scan3A_323 : i32 to index
      %swap3A_348 = arith.constant 384 : index
      %swap3A_349 = tpu.vector_load %arg6[%swap3A_347, %swap3A_348] {strides = array<i32>} : memref<32x512xf32, #tpu.memory_space<vmem>>, vector<16xf32>,
      tpu.vector_store %arg6[%swap3A_347, %swap3A_348], %get3A_17 {strides = array<i32>} : memref<32x512xf32, #tpu.memory_space<vmem>>, vector<16xf32>,
      %swap3A_350 = arith.index_cast %scan3A_323 : i32 to index
      %swap3A_351 = arith.constant 400 : index
      %swap3A_352 = tpu.vector_load %arg6[%swap3A_350, %swap3A_351] {strides = array<i32>} : memref<32x512xf32, #tpu.memory_space<vmem>>, vector<16xf32>,
      tpu.vector_store %arg6[%swap3A_350, %swap3A_351], %get3A_19 {strides = array<i32>} : memref<32x512xf32, #tpu.memory_space<vmem>>, vector<16xf32>,
      %swap3A_353 = arith.index_cast %scan3A_323 : i32 to index
      %swap3A_354 = arith.constant 416 : index
      %swap3A_355 = tpu.vector_load %arg6[%swap3A_353, %swap3A_354] {strides = array<i32>} : memref<32x512xf32, #tpu.memory_space<vmem>>, vector<16xf32>,
      tpu.vector_store %arg6[%swap3A_353, %swap3A_354], %get3A_21 {strides = array<i32>} : memref<32x512xf32, #tpu.memory_space<vmem>>, vector<16xf32>,
      %swap3A_356 = arith.index_cast %scan3A_323 : i32 to index
      %swap3A_357 = arith.constant 432 : index
      %swap3A_358 = tpu.vector_load %arg6[%swap3A_356, %swap3A_357] {strides = array<i32>} : memref<32x512xf32, #tpu.memory_space<vmem>>, vector<16xf32>,
      tpu.vector_store %arg6[%swap3A_356, %swap3A_357], %get3A_23 {strides = array<i32>} : memref<32x512xf32, #tpu.memory_space<vmem>>, vector<16xf32>,
      %swap3A_359 = arith.index_cast %scan3A_323 : i32 to index
      %swap3A_360 = arith.constant 448 : index
      %swap3A_361 = tpu.vector_load %arg6[%swap3A_359, %swap3A_360] {strides = array<i32>} : memref<32x512xf32, #tpu.memory_space<vmem>>, vector<16xf32>,
      tpu.vector_store %arg6[%swap3A_359, %swap3A_360], %get3A_25 {strides = array<i32>} : memref<32x512xf32, #tpu.memory_space<vmem>>, vector<16xf32>,
      %swap3A_362 = arith.index_cast %scan3A_323 : i32 to index
      %swap3A_363 = arith.constant 464 : index
      %swap3A_364 = tpu.vector_load %arg6[%swap3A_362, %swap3A_363] {strides = array<i32>} : memref<32x512xf32, #tpu.memory_space<vmem>>, vector<16xf32>,
      tpu.vector_store %arg6[%swap3A_362, %swap3A_363], %get3A_27 {strides = array<i32>} : memref<32x512xf32, #tpu.memory_space<vmem>>, vector<16xf32>,
      %swap3A_365 = arith.index_cast %scan3A_323 : i32 to index
      %swap3A_366 = arith.constant 480 : index
      %swap3A_367 = tpu.vector_load %arg6[%swap3A_365, %swap3A_366] {strides = array<i32>} : memref<32x512xf32, #tpu.memory_space<vmem>>, vector<16xf32>,
      tpu.vector_store %arg6[%swap3A_365, %swap3A_366], %get3A_29 {strides = array<i32>} : memref<32x512xf32, #tpu.memory_space<vmem>>, vector<16xf32>,
      %swap3A_368 = arith.index_cast %scan3A_323 : i32 to index
      %swap3A_369 = arith.constant 496 : index
      %swap3A_370 = tpu.vector_load %arg6[%swap3A_368, %swap3A_369] {strides = array<i32>} : memref<32x512xf32, #tpu.memory_space<vmem>>, vector<16xf32>,
      tpu.vector_store %arg6[%swap3A_368, %swap3A_369], %get3A_31 {strides = array<i32>} : memref<32x512xf32, #tpu.memory_space<vmem>>, vector<16xf32>,
    }
    %scan3A_36 = arith.constant 32 : i32
    %dma_start3A = arith.constant 0 : i32
    %dma_start3A_37 = arith.constant 0 : i32
    %dma_start3A_38 = arith.constant 0 : i32
    %dma_start3A_39 = tpu.memref_slice %arg4[%dma_start3A, %add3A, %dma_start3A_37, %dma_start3A_38] : memref<16x32x32x512xf32, #tpu.memory_space<hbm>> -> memref<1x1x32x512xf32, #tpu.memory_space<hbm>>
    %dma_start3A_40 = tpu.memref_squeeze %dma_start3A_39 : memref<1x1x32x512xf32, #tpu.memory_space<hbm>> -> memref<32x512xf32, #tpu.memory_space<hbm>>
    %dma_start3A_41 = arith.constant 0 : i32
    %dma_start3A_42 = arith.constant 0 : i32
    %dma_start3A_43 = tpu.memref_slice %arg4[%dma_start3A, %add3A, %dma_start3A_41, %dma_start3A_42] : memref<16x32x32x512xf32, #tpu.memory_space<hbm>> -> memref<1x1x32x512xf32, #tpu.memory_space<hbm>>
    %dma_start3A_44 = tpu.memref_squeeze %dma_start3A_43 : memref<1x1x32x512xf32, #tpu.memory_space<hbm>> -> memref<32x512xf32, #tpu.memory_space<hbm>>
    tpu.enqueue_dma source(%arg6 : memref<32x512xf32, #tpu.memory_space<vmem>>) target(%dma_start3A_44 : memref<32x512xf32, #tpu.memory_space<hbm>>) target_semaphore(%arg7 : memref<!tpu.dma_semaphore, #tpu.memory_space<semaphore_mem>>)
    %dma_start3A_45 = arith.constant 1 : i32
    %dma_start3A_46 = arith.constant 0 : i32
    %dma_start3A_47 = arith.constant 0 : i32
    %dma_start3A_48 = tpu.memref_slice %arg4[%dma_start3A_45, %add3A, %dma_start3A_46, %dma_start3A_47] : memref<16x32x32x512xf32, #tpu.memory_space<hbm>> -> memref<1x1x32x512xf32, #tpu.memory_space<hbm>>
    %dma_start3A_49 = tpu.memref_squeeze %dma_start3A_48 : memref<1x1x32x512xf32, #tpu.memory_space<hbm>> -> memref<32x512xf32, #tpu.memory_space<hbm>>
    %dma_start3A_50 = arith.constant 0 : i32
    %dma_start3A_51 = arith.constant 0 : i32
    %dma_start3A_52 = tpu.memref_slice %arg4[%dma_start3A_45, %add3A, %dma_start3A_50, %dma_start3A_51] : memref<16x32x32x512xf32, #tpu.memory_space<hbm>> -> memref<1x1x32x512xf32, #tpu.memory_space<hbm>>
    %dma_start3A_53 = tpu.memref_squeeze %dma_start3A_52 : memref<1x1x32x512xf32, #tpu.memory_space<hbm>> -> memref<32x512xf32, #tpu.memory_space<hbm>>
    tpu.enqueue_dma source(%arg6 : memref<32x512xf32, #tpu.memory_space<vmem>>) target(%dma_start3A_53 : memref<32x512xf32, #tpu.memory_space<hbm>>) target_semaphore(%arg7 : memref<!tpu.dma_semaphore, #tpu.memory_space<semaphore_mem>>)
    %dma_start3A_54 = arith.constant 2 : i32
    %dma_start3A_55 = arith.constant 0 : i32
    %dma_start3A_56 = arith.constant 0 : i32
    %dma_start3A_57 = tpu.memref_slice %arg4[%dma_start3A_54, %add3A, %dma_start3A_55, %dma_start3A_56] : memref<16x32x32x512xf32, #tpu.memory_space<hbm>> -> memref<1x1x32x512xf32, #tpu.memory_space<hbm>>
    %dma_start3A_58 = tpu.memref_squeeze %dma_start3A_57 : memref<1x1x32x512xf32, #tpu.memory_space<hbm>> -> memref<32x512xf32, #tpu.memory_space<hbm>>
    %dma_start3A_59 = arith.constant 0 : i32
    %dma_start3A_60 = arith.constant 0 : i32
    %dma_start3A_61 = tpu.memref_slice %arg4[%dma_start3A_54, %add3A, %dma_start3A_59, %dma_start3A_60] : memref<16x32x32x512xf32, #tpu.memory_space<hbm>> -> memref<1x1x32x512xf32, #tpu.memory_space<hbm>>
    %dma_start3A_62 = tpu.memref_squeeze %dma_start3A_61 : memref<1x1x32x512xf32, #tpu.memory_space<hbm>> -> memref<32x512xf32, #tpu.memory_space<hbm>>
    tpu.enqueue_dma source(%arg6 : memref<32x512xf32, #tpu.memory_space<vmem>>) target(%dma_start3A_62 : memref<32x512xf32, #tpu.memory_space<hbm>>) target_semaphore(%arg7 : memref<!tpu.dma_semaphore, #tpu.memory_space<semaphore_mem>>)
    %dma_start3A_63 = arith.constant 3 : i32
    %dma_start3A_64 = arith.constant 0 : i32
    %dma_start3A_65 = arith.constant 0 : i32
    %dma_start3A_66 = tpu.memref_slice %arg4[%dma_start3A_63, %add3A, %dma_start3A_64, %dma_start3A_65] : memref<16x32x32x512xf32, #tpu.memory_space<hbm>> -> memref<1x1x32x512xf32, #tpu.memory_space<hbm>>
    %dma_start3A_67 = tpu.memref_squeeze %dma_start3A_66 : memref<1x1x32x512xf32, #tpu.memory_space<hbm>> -> memref<32x512xf32, #tpu.memory_space<hbm>>
    %dma_start3A_68 = arith.constant 0 : i32
    %dma_start3A_69 = arith.constant 0 : i32
    %dma_start3A_70 = tpu.memref_slice %arg4[%dma_start3A_63, %add3A, %dma_start3A_68, %dma_start3A_69] : memref<16x32x32x512xf32, #tpu.memory_space<hbm>> -> memref<1x1x32x512xf32, #tpu.memory_space<hbm>>
    %dma_start3A_71 = tpu.memref_squeeze %dma_start3A_70 : memref<1x1x32x512xf32, #tpu.memory_space<hbm>> -> memref<32x512xf32, #tpu.memory_space<hbm>>
    tpu.enqueue_dma source(%arg6 : memref<32x512xf32, #tpu.memory_space<vmem>>) target(%dma_start3A_71 : memref<32x512xf32, #tpu.memory_space<hbm>>) target_semaphore(%arg7 : memref<!tpu.dma_semaphore, #tpu.memory_space<semaphore_mem>>)
    %dma_start3A_72 = arith.constant 4 : i32
    %dma_start3A_73 = arith.constant 0 : i32
    %dma_start3A_74 = arith.constant 0 : i32
    %dma_start3A_75 = tpu.memref_slice %arg4[%dma_start3A_72, %add3A, %dma_start3A_73, %dma_start3A_74] : memref<16x32x32x512xf32, #tpu.memory_space<hbm>> -> memref<1x1x32x512xf32, #tpu.memory_space<hbm>>
    %dma_start3A_76 = tpu.memref_squeeze %dma_start3A_75 : memref<1x1x32x512xf32, #tpu.memory_space<hbm>> -> memref<32x512xf32, #tpu.memory_space<hbm>>
    %dma_start3A_77 = arith.constant 0 : i32
    %dma_start3A_78 = arith.constant 0 : i32
    %dma_start3A_79 = tpu.memref_slice %arg4[%dma_start3A_72, %add3A, %dma_start3A_77, %dma_start3A_78] : memref<16x32x32x512xf32, #tpu.memory_space<hbm>> -> memref<1x1x32x512xf32, #tpu.memory_space<hbm>>
    %dma_start3A_80 = tpu.memref_squeeze %dma_start3A_79 : memref<1x1x32x512xf32, #tpu.memory_space<hbm>> -> memref<32x512xf32, #tpu.memory_space<hbm>>
    tpu.enqueue_dma source(%arg6 : memref<32x512xf32, #tpu.memory_space<vmem>>) target(%dma_start3A_80 : memref<32x512xf32, #tpu.memory_space<hbm>>) target_semaphore(%arg7 : memref<!tpu.dma_semaphore, #tpu.memory_space<semaphore_mem>>)
    %dma_start3A_81 = arith.constant 5 : i32
    %dma_start3A_82 = arith.constant 0 : i32
    %dma_start3A_83 = arith.constant 0 : i32
    %dma_start3A_84 = tpu.memref_slice %arg4[%dma_start3A_81, %add3A, %dma_start3A_82, %dma_start3A_83] : memref<16x32x32x512xf32, #tpu.memory_space<hbm>> -> memref<1x1x32x512xf32, #tpu.memory_space<hbm>>
    %dma_start3A_85 = tpu.memref_squeeze %dma_start3A_84 : memref<1x1x32x512xf32, #tpu.memory_space<hbm>> -> memref<32x512xf32, #tpu.memory_space<hbm>>
    %dma_start3A_86 = arith.constant 0 : i32
    %dma_start3A_87 = arith.constant 0 : i32
    %dma_start3A_88 = tpu.memref_slice %arg4[%dma_start3A_81, %add3A, %dma_start3A_86, %dma_start3A_87] : memref<16x32x32x512xf32, #tpu.memory_space<hbm>> -> memref<1x1x32x512xf32, #tpu.memory_space<hbm>>
    %dma_start3A_89 = tpu.memref_squeeze %dma_start3A_88 : memref<1x1x32x512xf32, #tpu.memory_space<hbm>> -> memref<32x512xf32, #tpu.memory_space<hbm>>
    tpu.enqueue_dma source(%arg6 : memref<32x512xf32, #tpu.memory_space<vmem>>) target(%dma_start3A_89 : memref<32x512xf32, #tpu.memory_space<hbm>>) target_semaphore(%arg7 : memref<!tpu.dma_semaphore, #tpu.memory_space<semaphore_mem>>)
    %dma_start3A_90 = arith.constant 6 : i32
    %dma_start3A_91 = arith.constant 0 : i32
    %dma_start3A_92 = arith.constant 0 : i32
    %dma_start3A_93 = tpu.memref_slice %arg4[%dma_start3A_90, %add3A, %dma_start3A_91, %dma_start3A_92] : memref<16x32x32x512xf32, #tpu.memory_space<hbm>> -> memref<1x1x32x512xf32, #tpu.memory_space<hbm>>
    %dma_start3A_94 = tpu.memref_squeeze %dma_start3A_93 : memref<1x1x32x512xf32, #tpu.memory_space<hbm>> -> memref<32x512xf32, #tpu.memory_space<hbm>>
    %dma_start3A_95 = arith.constant 0 : i32
    %dma_start3A_96 = arith.constant 0 : i32
    %dma_start3A_97 = tpu.memref_slice %arg4[%dma_start3A_90, %add3A, %dma_start3A_95, %dma_start3A_96] : memref<16x32x32x512xf32, #tpu.memory_space<hbm>> -> memref<1x1x32x512xf32, #tpu.memory_space<hbm>>
    %dma_start3A_98 = tpu.memref_squeeze %dma_start3A_97 : memref<1x1x32x512xf32, #tpu.memory_space<hbm>> -> memref<32x512xf32, #tpu.memory_space<hbm>>
    tpu.enqueue_dma source(%arg6 : memref<32x512xf32, #tpu.memory_space<vmem>>) target(%dma_start3A_98 : memref<32x512xf32, #tpu.memory_space<hbm>>) target_semaphore(%arg7 : memref<!tpu.dma_semaphore, #tpu.memory_space<semaphore_mem>>)
    %dma_start3A_99 = arith.constant 7 : i32
    %dma_start3A_100 = arith.constant 0 : i32
    %dma_start3A_101 = arith.constant 0 : i32
    %dma_start3A_102 = tpu.memref_slice %arg4[%dma_start3A_99, %add3A, %dma_start3A_100, %dma_start3A_101] : memref<16x32x32x512xf32, #tpu.memory_space<hbm>> -> memref<1x1x32x512xf32, #tpu.memory_space<hbm>>
    %dma_start3A_103 = tpu.memref_squeeze %dma_start3A_102 : memref<1x1x32x512xf32, #tpu.memory_space<hbm>> -> memref<32x512xf32, #tpu.memory_space<hbm>>
    %dma_start3A_104 = arith.constant 0 : i32
    %dma_start3A_105 = arith.constant 0 : i32
    %dma_start3A_106 = tpu.memref_slice %arg4[%dma_start3A_99, %add3A, %dma_start3A_104, %dma_start3A_105] : memref<16x32x32x512xf32, #tpu.memory_space<hbm>> -> memref<1x1x32x512xf32, #tpu.memory_space<hbm>>
    %dma_start3A_107 = tpu.memref_squeeze %dma_start3A_106 : memref<1x1x32x512xf32, #tpu.memory_space<hbm>> -> memref<32x512xf32, #tpu.memory_space<hbm>>
    tpu.enqueue_dma source(%arg6 : memref<32x512xf32, #tpu.memory_space<vmem>>) target(%dma_start3A_107 : memref<32x512xf32, #tpu.memory_space<hbm>>) target_semaphore(%arg7 : memref<!tpu.dma_semaphore, #tpu.memory_space<semaphore_mem>>)
    %dma_start3A_108 = arith.constant 8 : i32
    %dma_start3A_109 = arith.constant 0 : i32
    %dma_start3A_110 = arith.constant 0 : i32
    %dma_start3A_111 = tpu.memref_slice %arg4[%dma_start3A_108, %add3A, %dma_start3A_109, %dma_start3A_110] : memref<16x32x32x512xf32, #tpu.memory_space<hbm>> -> memref<1x1x32x512xf32, #tpu.memory_space<hbm>>
    %dma_start3A_112 = tpu.memref_squeeze %dma_start3A_111 : memref<1x1x32x512xf32, #tpu.memory_space<hbm>> -> memref<32x512xf32, #tpu.memory_space<hbm>>
    %dma_start3A_113 = arith.constant 0 : i32
    %dma_start3A_114 = arith.constant 0 : i32
    %dma_start3A_115 = tpu.memref_slice %arg4[%dma_start3A_108, %add3A, %dma_start3A_113, %dma_start3A_114] : memref<16x32x32x512xf32, #tpu.memory_space<hbm>> -> memref<1x1x32x512xf32, #tpu.memory_space<hbm>>
    %dma_start3A_116 = tpu.memref_squeeze %dma_start3A_115 : memref<1x1x32x512xf32, #tpu.memory_space<hbm>> -> memref<32x512xf32, #tpu.memory_space<hbm>>
    tpu.enqueue_dma source(%arg6 : memref<32x512xf32, #tpu.memory_space<vmem>>) target(%dma_start3A_116 : memref<32x512xf32, #tpu.memory_space<hbm>>) target_semaphore(%arg7 : memref<!tpu.dma_semaphore, #tpu.memory_space<semaphore_mem>>)
    %dma_start3A_117 = arith.constant 9 : i32
    %dma_start3A_118 = arith.constant 0 : i32
    %dma_start3A_119 = arith.constant 0 : i32
    %dma_start3A_120 = tpu.memref_slice %arg4[%dma_start3A_117, %add3A, %dma_start3A_118, %dma_start3A_119] : memref<16x32x32x512xf32, #tpu.memory_space<hbm>> -> memref<1x1x32x512xf32, #tpu.memory_space<hbm>>
    %dma_start3A_121 = tpu.memref_squeeze %dma_start3A_120 : memref<1x1x32x512xf32, #tpu.memory_space<hbm>> -> memref<32x512xf32, #tpu.memory_space<hbm>>
    %dma_start3A_122 = arith.constant 0 : i32
    %dma_start3A_123 = arith.constant 0 : i32
    %dma_start3A_124 = tpu.memref_slice %arg4[%dma_start3A_117, %add3A, %dma_start3A_122, %dma_start3A_123] : memref<16x32x32x512xf32, #tpu.memory_space<hbm>> -> memref<1x1x32x512xf32, #tpu.memory_space<hbm>>
    %dma_start3A_125 = tpu.memref_squeeze %dma_start3A_124 : memref<1x1x32x512xf32, #tpu.memory_space<hbm>> -> memref<32x512xf32, #tpu.memory_space<hbm>>
    tpu.enqueue_dma source(%arg6 : memref<32x512xf32, #tpu.memory_space<vmem>>) target(%dma_start3A_125 : memref<32x512xf32, #tpu.memory_space<hbm>>) target_semaphore(%arg7 : memref<!tpu.dma_semaphore, #tpu.memory_space<semaphore_mem>>)
    %dma_start3A_126 = arith.constant 10 : i32
    %dma_start3A_127 = arith.constant 0 : i32
    %dma_start3A_128 = arith.constant 0 : i32
    %dma_start3A_129 = tpu.memref_slice %arg4[%dma_start3A_126, %add3A, %dma_start3A_127, %dma_start3A_128] : memref<16x32x32x512xf32, #tpu.memory_space<hbm>> -> memref<1x1x32x512xf32, #tpu.memory_space<hbm>>
    %dma_start3A_130 = tpu.memref_squeeze %dma_start3A_129 : memref<1x1x32x512xf32, #tpu.memory_space<hbm>> -> memref<32x512xf32, #tpu.memory_space<hbm>>
    %dma_start3A_131 = arith.constant 0 : i32
    %dma_start3A_132 = arith.constant 0 : i32
    %dma_start3A_133 = tpu.memref_slice %arg4[%dma_start3A_126, %add3A, %dma_start3A_131, %dma_start3A_132] : memref<16x32x32x512xf32, #tpu.memory_space<hbm>> -> memref<1x1x32x512xf32, #tpu.memory_space<hbm>>
    %dma_start3A_134 = tpu.memref_squeeze %dma_start3A_133 : memref<1x1x32x512xf32, #tpu.memory_space<hbm>> -> memref<32x512xf32, #tpu.memory_space<hbm>>
    tpu.enqueue_dma source(%arg6 : memref<32x512xf32, #tpu.memory_space<vmem>>) target(%dma_start3A_134 : memref<32x512xf32, #tpu.memory_space<hbm>>) target_semaphore(%arg7 : memref<!tpu.dma_semaphore, #tpu.memory_space<semaphore_mem>>)
    %dma_start3A_135 = arith.constant 11 : i32
    %dma_start3A_136 = arith.constant 0 : i32
    %dma_start3A_137 = arith.constant 0 : i32
    %dma_start3A_138 = tpu.memref_slice %arg4[%dma_start3A_135, %add3A, %dma_start3A_136, %dma_start3A_137] : memref<16x32x32x512xf32, #tpu.memory_space<hbm>> -> memref<1x1x32x512xf32, #tpu.memory_space<hbm>>
    %dma_start3A_139 = tpu.memref_squeeze %dma_start3A_138 : memref<1x1x32x512xf32, #tpu.memory_space<hbm>> -> memref<32x512xf32, #tpu.memory_space<hbm>>
    %dma_start3A_140 = arith.constant 0 : i32
    %dma_start3A_141 = arith.constant 0 : i32
    %dma_start3A_142 = tpu.memref_slice %arg4[%dma_start3A_135, %add3A, %dma_start3A_140, %dma_start3A_141] : memref<16x32x32x512xf32, #tpu.memory_space<hbm>> -> memref<1x1x32x512xf32, #tpu.memory_space<hbm>>
    %dma_start3A_143 = tpu.memref_squeeze %dma_start3A_142 : memref<1x1x32x512xf32, #tpu.memory_space<hbm>> -> memref<32x512xf32, #tpu.memory_space<hbm>>
    tpu.enqueue_dma source(%arg6 : memref<32x512xf32, #tpu.memory_space<vmem>>) target(%dma_start3A_143 : memref<32x512xf32, #tpu.memory_space<hbm>>) target_semaphore(%arg7 : memref<!tpu.dma_semaphore, #tpu.memory_space<semaphore_mem>>)
    %dma_start3A_144 = arith.constant 12 : i32
    %dma_start3A_145 = arith.constant 0 : i32
    %dma_start3A_146 = arith.constant 0 : i32
    %dma_start3A_147 = tpu.memref_slice %arg4[%dma_start3A_144, %add3A, %dma_start3A_145, %dma_start3A_146] : memref<16x32x32x512xf32, #tpu.memory_space<hbm>> -> memref<1x1x32x512xf32, #tpu.memory_space<hbm>>
    %dma_start3A_148 = tpu.memref_squeeze %dma_start3A_147 : memref<1x1x32x512xf32, #tpu.memory_space<hbm>> -> memref<32x512xf32, #tpu.memory_space<hbm>>
    %dma_start3A_149 = arith.constant 0 : i32
    %dma_start3A_150 = arith.constant 0 : i32
    %dma_start3A_151 = tpu.memref_slice %arg4[%dma_start3A_144, %add3A, %dma_start3A_149, %dma_start3A_150] : memref<16x32x32x512xf32, #tpu.memory_space<hbm>> -> memref<1x1x32x512xf32, #tpu.memory_space<hbm>>
    %dma_start3A_152 = tpu.memref_squeeze %dma_start3A_151 : memref<1x1x32x512xf32, #tpu.memory_space<hbm>> -> memref<32x512xf32, #tpu.memory_space<hbm>>
    tpu.enqueue_dma source(%arg6 : memref<32x512xf32, #tpu.memory_space<vmem>>) target(%dma_start3A_152 : memref<32x512xf32, #tpu.memory_space<hbm>>) target_semaphore(%arg7 : memref<!tpu.dma_semaphore, #tpu.memory_space<semaphore_mem>>)
    %dma_start3A_153 = arith.constant 13 : i32
    %dma_start3A_154 = arith.constant 0 : i32
    %dma_start3A_155 = arith.constant 0 : i32
    %dma_start3A_156 = tpu.memref_slice %arg4[%dma_start3A_153, %add3A, %dma_start3A_154, %dma_start3A_155] : memref<16x32x32x512xf32, #tpu.memory_space<hbm>> -> memref<1x1x32x512xf32, #tpu.memory_space<hbm>>
    %dma_start3A_157 = tpu.memref_squeeze %dma_start3A_156 : memref<1x1x32x512xf32, #tpu.memory_space<hbm>> -> memref<32x512xf32, #tpu.memory_space<hbm>>
    %dma_start3A_158 = arith.constant 0 : i32
    %dma_start3A_159 = arith.constant 0 : i32
    %dma_start3A_160 = tpu.memref_slice %arg4[%dma_start3A_153, %add3A, %dma_start3A_158, %dma_start3A_159] : memref<16x32x32x512xf32, #tpu.memory_space<hbm>> -> memref<1x1x32x512xf32, #tpu.memory_space<hbm>>
    %dma_start3A_161 = tpu.memref_squeeze %dma_start3A_160 : memref<1x1x32x512xf32, #tpu.memory_space<hbm>> -> memref<32x512xf32, #tpu.memory_space<hbm>>
    tpu.enqueue_dma source(%arg6 : memref<32x512xf32, #tpu.memory_space<vmem>>) target(%dma_start3A_161 : memref<32x512xf32, #tpu.memory_space<hbm>>) target_semaphore(%arg7 : memref<!tpu.dma_semaphore, #tpu.memory_space<semaphore_mem>>)
    %dma_start3A_162 = arith.constant 14 : i32
    %dma_start3A_163 = arith.constant 0 : i32
    %dma_start3A_164 = arith.constant 0 : i32
    %dma_start3A_165 = tpu.memref_slice %arg4[%dma_start3A_162, %add3A, %dma_start3A_163, %dma_start3A_164] : memref<16x32x32x512xf32, #tpu.memory_space<hbm>> -> memref<1x1x32x512xf32, #tpu.memory_space<hbm>>
    %dma_start3A_166 = tpu.memref_squeeze %dma_start3A_165 : memref<1x1x32x512xf32, #tpu.memory_space<hbm>> -> memref<32x512xf32, #tpu.memory_space<hbm>>
    %dma_start3A_167 = arith.constant 0 : i32
    %dma_start3A_168 = arith.constant 0 : i32
    %dma_start3A_169 = tpu.memref_slice %arg4[%dma_start3A_162, %add3A, %dma_start3A_167, %dma_start3A_168] : memref<16x32x32x512xf32, #tpu.memory_space<hbm>> -> memref<1x1x32x512xf32, #tpu.memory_space<hbm>>
    %dma_start3A_170 = tpu.memref_squeeze %dma_start3A_169 : memref<1x1x32x512xf32, #tpu.memory_space<hbm>> -> memref<32x512xf32, #tpu.memory_space<hbm>>
    tpu.enqueue_dma source(%arg6 : memref<32x512xf32, #tpu.memory_space<vmem>>) target(%dma_start3A_170 : memref<32x512xf32, #tpu.memory_space<hbm>>) target_semaphore(%arg7 : memref<!tpu.dma_semaphore, #tpu.memory_space<semaphore_mem>>)
    %dma_start3A_171 = arith.constant 15 : i32
    %dma_start3A_172 = arith.constant 0 : i32
    %dma_start3A_173 = arith.constant 0 : i32
    %dma_start3A_174 = tpu.memref_slice %arg4[%dma_start3A_171, %add3A, %dma_start3A_172, %dma_start3A_173] : memref<16x32x32x512xf32, #tpu.memory_space<hbm>> -> memref<1x1x32x512xf32, #tpu.memory_space<hbm>>
    %dma_start3A_175 = tpu.memref_squeeze %dma_start3A_174 : memref<1x1x32x512xf32, #tpu.memory_space<hbm>> -> memref<32x512xf32, #tpu.memory_space<hbm>>
    %dma_start3A_176 = arith.constant 0 : i32
    %dma_start3A_177 = arith.constant 0 : i32
    %dma_start3A_178 = tpu.memref_slice %arg4[%dma_start3A_171, %add3A, %dma_start3A_176, %dma_start3A_177] : memref<16x32x32x512xf32, #tpu.memory_space<hbm>> -> memref<1x1x32x512xf32, #tpu.memory_space<hbm>>
    %dma_start3A_179 = tpu.memref_squeeze %dma_start3A_178 : memref<1x1x32x512xf32, #tpu.memory_space<hbm>> -> memref<32x512xf32, #tpu.memory_space<hbm>>
    tpu.enqueue_dma source(%arg6 : memref<32x512xf32, #tpu.memory_space<vmem>>) target(%dma_start3A_179 : memref<32x512xf32, #tpu.memory_space<hbm>>) target_semaphore(%arg7 : memref<!tpu.dma_semaphore, #tpu.memory_space<semaphore_mem>>)
    %dma_wait3A = arith.constant 0 : i32
    %dma_wait3A_180 = arith.constant 0 : i32
    %dma_wait3A_181 = arith.constant 0 : i32
    %dma_wait3A_182 = tpu.memref_slice %arg4[%dma_wait3A, %add3A, %dma_wait3A_180, %dma_wait3A_181] : memref<16x32x32x512xf32, #tpu.memory_space<hbm>> -> memref<1x1x32x512xf32, #tpu.memory_space<hbm>>
    %dma_wait3A_183 = tpu.memref_squeeze %dma_wait3A_182 : memref<1x1x32x512xf32, #tpu.memory_space<hbm>> -> memref<32x512xf32, #tpu.memory_space<hbm>>
    %dma_wait3A_184 = arith.constant 0 : i32
    %dma_wait3A_185 = arith.constant 0 : i32
    %dma_wait3A_186 = tpu.memref_slice %arg4[%dma_wait3A, %add3A, %dma_wait3A_184, %dma_wait3A_185] : memref<16x32x32x512xf32, #tpu.memory_space<hbm>> -> memref<1x1x32x512xf32, #tpu.memory_space<hbm>>
    %dma_wait3A_187 = tpu.memref_squeeze %dma_wait3A_186 : memref<1x1x32x512xf32, #tpu.memory_space<hbm>> -> memref<32x512xf32, #tpu.memory_space<hbm>>
    tpu.wait_dma2 semaphore(%arg7 : memref<!tpu.dma_semaphore, #tpu.memory_space<semaphore_mem>>) src(%arg6 : memref<32x512xf32, #tpu.memory_space<vmem>>) dst(%dma_wait3A_187 : memref<32x512xf32, #tpu.memory_space<hbm>>)
    %dma_wait3A_188 = arith.constant 1 : i32
    %dma_wait3A_189 = arith.constant 0 : i32
    %dma_wait3A_190 = arith.constant 0 : i32
    %dma_wait3A_191 = tpu.memref_slice %arg4[%dma_wait3A_188, %add3A, %dma_wait3A_189, %dma_wait3A_190] : memref<16x32x32x512xf32, #tpu.memory_space<hbm>> -> memref<1x1x32x512xf32, #tpu.memory_space<hbm>>
    %dma_wait3A_192 = tpu.memref_squeeze %dma_wait3A_191 : memref<1x1x32x512xf32, #tpu.memory_space<hbm>> -> memref<32x512xf32, #tpu.memory_space<hbm>>
    %dma_wait3A_193 = arith.constant 0 : i32
    %dma_wait3A_194 = arith.constant 0 : i32
    %dma_wait3A_195 = tpu.memref_slice %arg4[%dma_wait3A_188, %add3A, %dma_wait3A_193, %dma_wait3A_194] : memref<16x32x32x512xf32, #tpu.memory_space<hbm>> -> memref<1x1x32x512xf32, #tpu.memory_space<hbm>>
    %dma_wait3A_196 = tpu.memref_squeeze %dma_wait3A_195 : memref<1x1x32x512xf32, #tpu.memory_space<hbm>> -> memref<32x512xf32, #tpu.memory_space<hbm>>
    tpu.wait_dma2 semaphore(%arg7 : memref<!tpu.dma_semaphore, #tpu.memory_space<semaphore_mem>>) src(%arg6 : memref<32x512xf32, #tpu.memory_space<vmem>>) dst(%dma_wait3A_196 : memref<32x512xf32, #tpu.memory_space<hbm>>)
    %dma_wait3A_197 = arith.constant 2 : i32
    %dma_wait3A_198 = arith.constant 0 : i32
    %dma_wait3A_199 = arith.constant 0 : i32
    %dma_wait3A_200 = tpu.memref_slice %arg4[%dma_wait3A_197, %add3A, %dma_wait3A_198, %dma_wait3A_199] : memref<16x32x32x512xf32, #tpu.memory_space<hbm>> -> memref<1x1x32x512xf32, #tpu.memory_space<hbm>>
    %dma_wait3A_201 = tpu.memref_squeeze %dma_wait3A_200 : memref<1x1x32x512xf32, #tpu.memory_space<hbm>> -> memref<32x512xf32, #tpu.memory_space<hbm>>
    %dma_wait3A_202 = arith.constant 0 : i32
    %dma_wait3A_203 = arith.constant 0 : i32
    %dma_wait3A_204 = tpu.memref_slice %arg4[%dma_wait3A_197, %add3A, %dma_wait3A_202, %dma_wait3A_203] : memref<16x32x32x512xf32, #tpu.memory_space<hbm>> -> memref<1x1x32x512xf32, #tpu.memory_space<hbm>>
    %dma_wait3A_205 = tpu.memref_squeeze %dma_wait3A_204 : memref<1x1x32x512xf32, #tpu.memory_space<hbm>> -> memref<32x512xf32, #tpu.memory_space<hbm>>
    tpu.wait_dma2 semaphore(%arg7 : memref<!tpu.dma_semaphore, #tpu.memory_space<semaphore_mem>>) src(%arg6 : memref<32x512xf32, #tpu.memory_space<vmem>>) dst(%dma_wait3A_205 : memref<32x512xf32, #tpu.memory_space<hbm>>)
    %dma_wait3A_206 = arith.constant 3 : i32
    %dma_wait3A_207 = arith.constant 0 : i32
    %dma_wait3A_208 = arith.constant 0 : i32
    %dma_wait3A_209 = tpu.memref_slice %arg4[%dma_wait3A_206, %add3A, %dma_wait3A_207, %dma_wait3A_208] : memref<16x32x32x512xf32, #tpu.memory_space<hbm>> -> memref<1x1x32x512xf32, #tpu.memory_space<hbm>>
    %dma_wait3A_210 = tpu.memref_squeeze %dma_wait3A_209 : memref<1x1x32x512xf32, #tpu.memory_space<hbm>> -> memref<32x512xf32, #tpu.memory_space<hbm>>
    %dma_wait3A_211 = arith.constant 0 : i32
    %dma_wait3A_212 = arith.constant 0 : i32
    %dma_wait3A_213 = tpu.memref_slice %arg4[%dma_wait3A_206, %add3A, %dma_wait3A_211, %dma_wait3A_212] : memref<16x32x32x512xf32, #tpu.memory_space<hbm>> -> memref<1x1x32x512xf32, #tpu.memory_space<hbm>>
    %dma_wait3A_214 = tpu.memref_squeeze %dma_wait3A_213 : memref<1x1x32x512xf32, #tpu.memory_space<hbm>> -> memref<32x512xf32, #tpu.memory_space<hbm>>
    tpu.wait_dma2 semaphore(%arg7 : memref<!tpu.dma_semaphore, #tpu.memory_space<semaphore_mem>>) src(%arg6 : memref<32x512xf32, #tpu.memory_space<vmem>>) dst(%dma_wait3A_214 : memref<32x512xf32, #tpu.memory_space<hbm>>)
    %dma_wait3A_215 = arith.constant 4 : i32
    %dma_wait3A_216 = arith.constant 0 : i32
    %dma_wait3A_217 = arith.constant 0 : i32
    %dma_wait3A_218 = tpu.memref_slice %arg4[%dma_wait3A_215, %add3A, %dma_wait3A_216, %dma_wait3A_217] : memref<16x32x32x512xf32, #tpu.memory_space<hbm>> -> memref<1x1x32x512xf32, #tpu.memory_space<hbm>>
    %dma_wait3A_219 = tpu.memref_squeeze %dma_wait3A_218 : memref<1x1x32x512xf32, #tpu.memory_space<hbm>> -> memref<32x512xf32, #tpu.memory_space<hbm>>
    %dma_wait3A_220 = arith.constant 0 : i32
    %dma_wait3A_221 = arith.constant 0 : i32
    %dma_wait3A_222 = tpu.memref_slice %arg4[%dma_wait3A_215, %add3A, %dma_wait3A_220, %dma_wait3A_221] : memref<16x32x32x512xf32, #tpu.memory_space<hbm>> -> memref<1x1x32x512xf32, #tpu.memory_space<hbm>>
    %dma_wait3A_223 = tpu.memref_squeeze %dma_wait3A_222 : memref<1x1x32x512xf32, #tpu.memory_space<hbm>> -> memref<32x512xf32, #tpu.memory_space<hbm>>
    tpu.wait_dma2 semaphore(%arg7 : memref<!tpu.dma_semaphore, #tpu.memory_space<semaphore_mem>>) src(%arg6 : memref<32x512xf32, #tpu.memory_space<vmem>>) dst(%dma_wait3A_223 : memref<32x512xf32, #tpu.memory_space<hbm>>)
    %dma_wait3A_224 = arith.constant 5 : i32
    %dma_wait3A_225 = arith.constant 0 : i32
    %dma_wait3A_226 = arith.constant 0 : i32
    %dma_wait3A_227 = tpu.memref_slice %arg4[%dma_wait3A_224, %add3A, %dma_wait3A_225, %dma_wait3A_226] : memref<16x32x32x512xf32, #tpu.memory_space<hbm>> -> memref<1x1x32x512xf32, #tpu.memory_space<hbm>>
    %dma_wait3A_228 = tpu.memref_squeeze %dma_wait3A_227 : memref<1x1x32x512xf32, #tpu.memory_space<hbm>> -> memref<32x512xf32, #tpu.memory_space<hbm>>
    %dma_wait3A_229 = arith.constant 0 : i32
    %dma_wait3A_230 = arith.constant 0 : i32
    %dma_wait3A_231 = tpu.memref_slice %arg4[%dma_wait3A_224, %add3A, %dma_wait3A_229, %dma_wait3A_230] : memref<16x32x32x512xf32, #tpu.memory_space<hbm>> -> memref<1x1x32x512xf32, #tpu.memory_space<hbm>>
    %dma_wait3A_232 = tpu.memref_squeeze %dma_wait3A_231 : memref<1x1x32x512xf32, #tpu.memory_space<hbm>> -> memref<32x512xf32, #tpu.memory_space<hbm>>
    tpu.wait_dma2 semaphore(%arg7 : memref<!tpu.dma_semaphore, #tpu.memory_space<semaphore_mem>>) src(%arg6 : memref<32x512xf32, #tpu.memory_space<vmem>>) dst(%dma_wait3A_232 : memref<32x512xf32, #tpu.memory_space<hbm>>)
    %dma_wait3A_233 = arith.constant 6 : i32
    %dma_wait3A_234 = arith.constant 0 : i32
    %dma_wait3A_235 = arith.constant 0 : i32
    %dma_wait3A_236 = tpu.memref_slice %arg4[%dma_wait3A_233, %add3A, %dma_wait3A_234, %dma_wait3A_235] : memref<16x32x32x512xf32, #tpu.memory_space<hbm>> -> memref<1x1x32x512xf32, #tpu.memory_space<hbm>>
    %dma_wait3A_237 = tpu.memref_squeeze %dma_wait3A_236 : memref<1x1x32x512xf32, #tpu.memory_space<hbm>> -> memref<32x512xf32, #tpu.memory_space<hbm>>
    %dma_wait3A_238 = arith.constant 0 : i32
    %dma_wait3A_239 = arith.constant 0 : i32
    %dma_wait3A_240 = tpu.memref_slice %arg4[%dma_wait3A_233, %add3A, %dma_wait3A_238, %dma_wait3A_239] : memref<16x32x32x512xf32, #tpu.memory_space<hbm>> -> memref<1x1x32x512xf32, #tpu.memory_space<hbm>>
    %dma_wait3A_241 = tpu.memref_squeeze %dma_wait3A_240 : memref<1x1x32x512xf32, #tpu.memory_space<hbm>> -> memref<32x512xf32, #tpu.memory_space<hbm>>
    tpu.wait_dma2 semaphore(%arg7 : memref<!tpu.dma_semaphore, #tpu.memory_space<semaphore_mem>>) src(%arg6 : memref<32x512xf32, #tpu.memory_space<vmem>>) dst(%dma_wait3A_241 : memref<32x512xf32, #tpu.memory_space<hbm>>)
    %dma_wait3A_242 = arith.constant 7 : i32
    %dma_wait3A_243 = arith.constant 0 : i32
    %dma_wait3A_244 = arith.constant 0 : i32
    %dma_wait3A_245 = tpu.memref_slice %arg4[%dma_wait3A_242, %add3A, %dma_wait3A_243, %dma_wait3A_244] : memref<16x32x32x512xf32, #tpu.memory_space<hbm>> -> memref<1x1x32x512xf32, #tpu.memory_space<hbm>>
    %dma_wait3A_246 = tpu.memref_squeeze %dma_wait3A_245 : memref<1x1x32x512xf32, #tpu.memory_space<hbm>> -> memref<32x512xf32, #tpu.memory_space<hbm>>
    %dma_wait3A_247 = arith.constant 0 : i32
    %dma_wait3A_248 = arith.constant 0 : i32
    %dma_wait3A_249 = tpu.memref_slice %arg4[%dma_wait3A_242, %add3A, %dma_wait3A_247, %dma_wait3A_248] : memref<16x32x32x512xf32, #tpu.memory_space<hbm>> -> memref<1x1x32x512xf32, #tpu.memory_space<hbm>>
    %dma_wait3A_250 = tpu.memref_squeeze %dma_wait3A_249 : memref<1x1x32x512xf32, #tpu.memory_space<hbm>> -> memref<32x512xf32, #tpu.memory_space<hbm>>
    tpu.wait_dma2 semaphore(%arg7 : memref<!tpu.dma_semaphore, #tpu.memory_space<semaphore_mem>>) src(%arg6 : memref<32x512xf32, #tpu.memory_space<vmem>>) dst(%dma_wait3A_250 : memref<32x512xf32, #tpu.memory_space<hbm>>)
    %dma_wait3A_251 = arith.constant 8 : i32
    %dma_wait3A_252 = arith.constant 0 : i32
    %dma_wait3A_253 = arith.constant 0 : i32
    %dma_wait3A_254 = tpu.memref_slice %arg4[%dma_wait3A_251, %add3A, %dma_wait3A_252, %dma_wait3A_253] : memref<16x32x32x512xf32, #tpu.memory_space<hbm>> -> memref<1x1x32x512xf32, #tpu.memory_space<hbm>>
    %dma_wait3A_255 = tpu.memref_squeeze %dma_wait3A_254 : memref<1x1x32x512xf32, #tpu.memory_space<hbm>> -> memref<32x512xf32, #tpu.memory_space<hbm>>
    %dma_wait3A_256 = arith.constant 0 : i32
    %dma_wait3A_257 = arith.constant 0 : i32
    %dma_wait3A_258 = tpu.memref_slice %arg4[%dma_wait3A_251, %add3A, %dma_wait3A_256, %dma_wait3A_257] : memref<16x32x32x512xf32, #tpu.memory_space<hbm>> -> memref<1x1x32x512xf32, #tpu.memory_space<hbm>>
    %dma_wait3A_259 = tpu.memref_squeeze %dma_wait3A_258 : memref<1x1x32x512xf32, #tpu.memory_space<hbm>> -> memref<32x512xf32, #tpu.memory_space<hbm>>
    tpu.wait_dma2 semaphore(%arg7 : memref<!tpu.dma_semaphore, #tpu.memory_space<semaphore_mem>>) src(%arg6 : memref<32x512xf32, #tpu.memory_space<vmem>>) dst(%dma_wait3A_259 : memref<32x512xf32, #tpu.memory_space<hbm>>)
    %dma_wait3A_260 = arith.constant 9 : i32
    %dma_wait3A_261 = arith.constant 0 : i32
    %dma_wait3A_262 = arith.constant 0 : i32
    %dma_wait3A_263 = tpu.memref_slice %arg4[%dma_wait3A_260, %add3A, %dma_wait3A_261, %dma_wait3A_262] : memref<16x32x32x512xf32, #tpu.memory_space<hbm>> -> memref<1x1x32x512xf32, #tpu.memory_space<hbm>>
    %dma_wait3A_264 = tpu.memref_squeeze %dma_wait3A_263 : memref<1x1x32x512xf32, #tpu.memory_space<hbm>> -> memref<32x512xf32, #tpu.memory_space<hbm>>
    %dma_wait3A_265 = arith.constant 0 : i32
    %dma_wait3A_266 = arith.constant 0 : i32
    %dma_wait3A_267 = tpu.memref_slice %arg4[%dma_wait3A_260, %add3A, %dma_wait3A_265, %dma_wait3A_266] : memref<16x32x32x512xf32, #tpu.memory_space<hbm>> -> memref<1x1x32x512xf32, #tpu.memory_space<hbm>>
    %dma_wait3A_268 = tpu.memref_squeeze %dma_wait3A_267 : memref<1x1x32x512xf32, #tpu.memory_space<hbm>> -> memref<32x512xf32, #tpu.memory_space<hbm>>
    tpu.wait_dma2 semaphore(%arg7 : memref<!tpu.dma_semaphore, #tpu.memory_space<semaphore_mem>>) src(%arg6 : memref<32x512xf32, #tpu.memory_space<vmem>>) dst(%dma_wait3A_268 : memref<32x512xf32, #tpu.memory_space<hbm>>)
    %dma_wait3A_269 = arith.constant 10 : i32
    %dma_wait3A_270 = arith.constant 0 : i32
    %dma_wait3A_271 = arith.constant 0 : i32
    %dma_wait3A_272 = tpu.memref_slice %arg4[%dma_wait3A_269, %add3A, %dma_wait3A_270, %dma_wait3A_271] : memref<16x32x32x512xf32, #tpu.memory_space<hbm>> -> memref<1x1x32x512xf32, #tpu.memory_space<hbm>>
    %dma_wait3A_273 = tpu.memref_squeeze %dma_wait3A_272 : memref<1x1x32x512xf32, #tpu.memory_space<hbm>> -> memref<32x512xf32, #tpu.memory_space<hbm>>
    %dma_wait3A_274 = arith.constant 0 : i32
    %dma_wait3A_275 = arith.constant 0 : i32
    %dma_wait3A_276 = tpu.memref_slice %arg4[%dma_wait3A_269, %add3A, %dma_wait3A_274, %dma_wait3A_275] : memref<16x32x32x512xf32, #tpu.memory_space<hbm>> -> memref<1x1x32x512xf32, #tpu.memory_space<hbm>>
    %dma_wait3A_277 = tpu.memref_squeeze %dma_wait3A_276 : memref<1x1x32x512xf32, #tpu.memory_space<hbm>> -> memref<32x512xf32, #tpu.memory_space<hbm>>
    tpu.wait_dma2 semaphore(%arg7 : memref<!tpu.dma_semaphore, #tpu.memory_space<semaphore_mem>>) src(%arg6 : memref<32x512xf32, #tpu.memory_space<vmem>>) dst(%dma_wait3A_277 : memref<32x512xf32, #tpu.memory_space<hbm>>)
    %dma_wait3A_278 = arith.constant 11 : i32
    %dma_wait3A_279 = arith.constant 0 : i32
    %dma_wait3A_280 = arith.constant 0 : i32
    %dma_wait3A_281 = tpu.memref_slice %arg4[%dma_wait3A_278, %add3A, %dma_wait3A_279, %dma_wait3A_280] : memref<16x32x32x512xf32, #tpu.memory_space<hbm>> -> memref<1x1x32x512xf32, #tpu.memory_space<hbm>>
    %dma_wait3A_282 = tpu.memref_squeeze %dma_wait3A_281 : memref<1x1x32x512xf32, #tpu.memory_space<hbm>> -> memref<32x512xf32, #tpu.memory_space<hbm>>
    %dma_wait3A_283 = arith.constant 0 : i32
    %dma_wait3A_284 = arith.constant 0 : i32
    %dma_wait3A_285 = tpu.memref_slice %arg4[%dma_wait3A_278, %add3A, %dma_wait3A_283, %dma_wait3A_284] : memref<16x32x32x512xf32, #tpu.memory_space<hbm>> -> memref<1x1x32x512xf32, #tpu.memory_space<hbm>>
    %dma_wait3A_286 = tpu.memref_squeeze %dma_wait3A_285 : memref<1x1x32x512xf32, #tpu.memory_space<hbm>> -> memref<32x512xf32, #tpu.memory_space<hbm>>
    tpu.wait_dma2 semaphore(%arg7 : memref<!tpu.dma_semaphore, #tpu.memory_space<semaphore_mem>>) src(%arg6 : memref<32x512xf32, #tpu.memory_space<vmem>>) dst(%dma_wait3A_286 : memref<32x512xf32, #tpu.memory_space<hbm>>)
    %dma_wait3A_287 = arith.constant 12 : i32
    %dma_wait3A_288 = arith.constant 0 : i32
    %dma_wait3A_289 = arith.constant 0 : i32
    %dma_wait3A_290 = tpu.memref_slice %arg4[%dma_wait3A_287, %add3A, %dma_wait3A_288, %dma_wait3A_289] : memref<16x32x32x512xf32, #tpu.memory_space<hbm>> -> memref<1x1x32x512xf32, #tpu.memory_space<hbm>>
    %dma_wait3A_291 = tpu.memref_squeeze %dma_wait3A_290 : memref<1x1x32x512xf32, #tpu.memory_space<hbm>> -> memref<32x512xf32, #tpu.memory_space<hbm>>
    %dma_wait3A_292 = arith.constant 0 : i32
    %dma_wait3A_293 = arith.constant 0 : i32
    %dma_wait3A_294 = tpu.memref_slice %arg4[%dma_wait3A_287, %add3A, %dma_wait3A_292, %dma_wait3A_293] : memref<16x32x32x512xf32, #tpu.memory_space<hbm>> -> memref<1x1x32x512xf32, #tpu.memory_space<hbm>>
    %dma_wait3A_295 = tpu.memref_squeeze %dma_wait3A_294 : memref<1x1x32x512xf32, #tpu.memory_space<hbm>> -> memref<32x512xf32, #tpu.memory_space<hbm>>
    tpu.wait_dma2 semaphore(%arg7 : memref<!tpu.dma_semaphore, #tpu.memory_space<semaphore_mem>>) src(%arg6 : memref<32x512xf32, #tpu.memory_space<vmem>>) dst(%dma_wait3A_295 : memref<32x512xf32, #tpu.memory_space<hbm>>)
    %dma_wait3A_296 = arith.constant 13 : i32
    %dma_wait3A_297 = arith.constant 0 : i32
    %dma_wait3A_298 = arith.constant 0 : i32
    %dma_wait3A_299 = tpu.memref_slice %arg4[%dma_wait3A_296, %add3A, %dma_wait3A_297, %dma_wait3A_298] : memref<16x32x32x512xf32, #tpu.memory_space<hbm>> -> memref<1x1x32x512xf32, #tpu.memory_space<hbm>>
    %dma_wait3A_300 = tpu.memref_squeeze %dma_wait3A_299 : memref<1x1x32x512xf32, #tpu.memory_space<hbm>> -> memref<32x512xf32, #tpu.memory_space<hbm>>
    %dma_wait3A_301 = arith.constant 0 : i32
    %dma_wait3A_302 = arith.constant 0 : i32
    %dma_wait3A_303 = tpu.memref_slice %arg4[%dma_wait3A_296, %add3A, %dma_wait3A_301, %dma_wait3A_302] : memref<16x32x32x512xf32, #tpu.memory_space<hbm>> -> memref<1x1x32x512xf32, #tpu.memory_space<hbm>>
    %dma_wait3A_304 = tpu.memref_squeeze %dma_wait3A_303 : memref<1x1x32x512xf32, #tpu.memory_space<hbm>> -> memref<32x512xf32, #tpu.memory_space<hbm>>
    tpu.wait_dma2 semaphore(%arg7 : memref<!tpu.dma_semaphore, #tpu.memory_space<semaphore_mem>>) src(%arg6 : memref<32x512xf32, #tpu.memory_space<vmem>>) dst(%dma_wait3A_304 : memref<32x512xf32, #tpu.memory_space<hbm>>)
    %dma_wait3A_305 = arith.constant 14 : i32
    %dma_wait3A_306 = arith.constant 0 : i32
    %dma_wait3A_307 = arith.constant 0 : i32
    %dma_wait3A_308 = tpu.memref_slice %arg4[%dma_wait3A_305, %add3A, %dma_wait3A_306, %dma_wait3A_307] : memref<16x32x32x512xf32, #tpu.memory_space<hbm>> -> memref<1x1x32x512xf32, #tpu.memory_space<hbm>>
    %dma_wait3A_309 = tpu.memref_squeeze %dma_wait3A_308 : memref<1x1x32x512xf32, #tpu.memory_space<hbm>> -> memref<32x512xf32, #tpu.memory_space<hbm>>
    %dma_wait3A_310 = arith.constant 0 : i32
    %dma_wait3A_311 = arith.constant 0 : i32
    %dma_wait3A_312 = tpu.memref_slice %arg4[%dma_wait3A_305, %add3A, %dma_wait3A_310, %dma_wait3A_311] : memref<16x32x32x512xf32, #tpu.memory_space<hbm>> -> memref<1x1x32x512xf32, #tpu.memory_space<hbm>>
    %dma_wait3A_313 = tpu.memref_squeeze %dma_wait3A_312 : memref<1x1x32x512xf32, #tpu.memory_space<hbm>> -> memref<32x512xf32, #tpu.memory_space<hbm>>
    tpu.wait_dma2 semaphore(%arg7 : memref<!tpu.dma_semaphore, #tpu.memory_space<semaphore_mem>>) src(%arg6 : memref<32x512xf32, #tpu.memory_space<vmem>>) dst(%dma_wait3A_313 : memref<32x512xf32, #tpu.memory_space<hbm>>)
    %dma_wait3A_314 = arith.constant 15 : i32
    %dma_wait3A_315 = arith.constant 0 : i32
    %dma_wait3A_316 = arith.constant 0 : i32
    %dma_wait3A_317 = tpu.memref_slice %arg4[%dma_wait3A_314, %add3A, %dma_wait3A_315, %dma_wait3A_316] : memref<16x32x32x512xf32, #tpu.memory_space<hbm>> -> memref<1x1x32x512xf32, #tpu.memory_space<hbm>>
    %dma_wait3A_318 = tpu.memref_squeeze %dma_wait3A_317 : memref<1x1x32x512xf32, #tpu.memory_space<hbm>> -> memref<32x512xf32, #tpu.memory_space<hbm>>
    %dma_wait3A_319 = arith.constant 0 : i32
    %dma_wait3A_320 = arith.constant 0 : i32
    %dma_wait3A_321 = tpu.memref_slice %arg4[%dma_wait3A_314, %add3A, %dma_wait3A_319, %dma_wait3A_320] : memref<16x32x32x512xf32, #tpu.memory_space<hbm>> -> memref<1x1x32x512xf32, #tpu.memory_space<hbm>>
    %dma_wait3A_322 = tpu.memref_squeeze %dma_wait3A_321 : memref<1x1x32x512xf32, #tpu.memory_space<hbm>> -> memref<32x512xf32, #tpu.memory_space<hbm>>
    tpu.wait_dma2 semaphore(%arg7 : memref<!tpu.dma_semaphore, #tpu.memory_space<semaphore_mem>>) src(%arg6 : memref<32x512xf32, #tpu.memory_space<vmem>>) dst(%dma_wait3A_322 : memref<32x512xf32, #tpu.memory_space<hbm>>)
    return
  }
}

</mosaic_0001>

<sc_bundles>
// kernel: kernel.3.cloned.1.call-start
scs
__scs_entry_jumppad:
0x0: {  	(pc) =	sbr.rel $0x88, $3  }
0x1: {  	(tag) =	ssettag $0x0;
	lr =	simm.s32 $0x1  }
0x2: {  	[smem:$0x3F9F] =	sst lr;
	_ =	strace $0xD0000000  }
0x3: {  	_ = 	snop  }
0x4: {  	_ = 	snop  }
0x5: {  	_ = 	snop  }
0x6: {  	_ = 	snop  }
0x7: {  	_ = 	snop  }
__scs_overlays_trampoline_lowered:
0x8: {  	[smem:$0x3FAE] =	sst s0  }
0x9: {  	[smem:$0x3FAF] =	sst s1  }
0xa: {  	[smem:$0x3FB0] =	sst s2  }
0xb: {  	[smem:$0x3FB1] =	sst s3  }
0xc: {  	[smem:$0x3FB2] =	sst s4  }
0xd: {  	[smem:$0x3FB3] =	sst s5  }
0xe: {  	[smem:$0x3FB4] =	sst s6  }
0xf: {  	[smem:$0x3FB5] =	sst s7  }
0x10: {  	[smem:$0x3FB6] =	sst s8  }
0x11: {  	[smem:$0x3FB7] =	sst s9;
	s0 =	simm.s32 @!p0 $0x0  }
0x12: {  	s1 =	sld [smem:$0x3F9D];
	s0 =	simm.s32 @p0 $0x1  }
0x13: {  	[smem:$0x3FB8] =	sst s0;
	s0 =	simm.s32 @!p1 $0x0  }
0x14: {  	s2 =	sld [smem:$0x3F9C];
	s0 =	simm.s32 @p1 $0x1  }
0x15: {  	[smem:$0x3FB9] =	sst s0;
	s0 =	simm.s32 @!p2 $0x0  }
0x16: {  	s3 =	sld [smem:$0x3FDB];
	s0 =	simm.s32 @p2 $0x1  }
0x17: {  	s4 =	simm.s32 $0x1BF5;
	[smem:$0x3FBB] =	sst s0  }
0x18: {  	s0 =	sld [smem:$0x3F9E];
	_ =	swait.ge [sflag:s4], $0x0  }
0x19: {  	s7 =	sld [smem:$0x3F9F]  }
0x1a: {  	s8 =	sadd.s32 $0xFFFFE003, lr  }
0x1b: {  	s9 =	sadd.s32 $0xFFFFFEF7, lr;
	s5 =	simm.s32 $0xFFFFFFFF;
	p2 =	slt.u32 s8, $0xFFFFF086  }
0x1c: {  	p1 =	slt.u32 s9, $0xF7A;
	s5 =	simm.s32 @!p2 $0x0  }
0x1d: {  	s5 =	simm.s32 @p1 $0x1;
	p0 =	seq.s32 s7, s2  }
0x1e: {  	s7 =	smul.u32 @!p0 $0xF7A, s2;
	p2 =	seq.s32 @!p0 s5, $0x0  }
0x1f: {  	s9 =	smul.u32 $0xF7A, s1;
	s8 =	simm.s32 @!p0 $0x1BF5;
	p2 =	por !p2, p0  }
0x20: {  	[sflag:s8] =	ssyncset.s32 @!p0 $0xFFFFF086;
	s6 =	sadd.s32 @!p0 s3, s7;
	s7 =	simm.s32 @!p0 $0x108  }
0x21: {  	s3 =	sadd.s32 s3, s9;
	s6 =	sadd.s32 @!p0 $0x88, s6;
	s7 =	simm.s32 @p2 $0x1082  }
0x22: {  	[simem:s7], [sflag:s8] =	dma.local @!p0 [hbm:s6], $0xF7A  }
0x23: {  	s9 =	sor.u32 $0xD0000000, s2;
	s6 =	simm.s32 $0x108;
	_ =	swait.ge @!p0 [sflag:s8], $0x0  }
0x24: {  	s3 =	sadd.s32 $0x88, s3;
	s6 =	simm.s32 @!p1 $0x1082;
	[sflag:s4] =	ssyncset.s32 $0xFFFFF086  }
0x25: {  	[simem:s6], [sflag:s4] =	dma.local [hbm:s3], $0xF7A  }
0x26: {  	[smem:$0x3F9F] =	sst s1;
	(tag) =	ssettag s2;
	_ =	strace s9  }
0x27: {  	s1 =	sld [smem:$0x3FAF]  }
0x28: {  	s2 =	sld [smem:$0x3FB0]  }
0x29: {  	s4 =	sld [smem:$0x3FB2]  }
0x2a: {  	p0 =	seq.s32 s5, $0x0;
	s5 =	sld [smem:$0x3FB3]  }
0x2b: {  	s6 =	sld [smem:$0x3FB4]  }
0x2c: {  	s7 =	sld [smem:$0x3FB5]  }
0x2d: {  	s3 =	simm.s32 $0x108;
	s8 =	sld [smem:$0x3FB6]  }
0x2e: {  	s3 =	simm.s32 @!p0 $0x1082;
	s9 =	sld [smem:$0x3FB7]  }
0x2f: {  	lr =	sadd.s32 s0, s3;
	s0 =	sld [smem:$0x3FAE]  }
0x30: {  	s3 =	sld [smem:$0x3FB1]  }
0x31: {  	[smem:$0x3FBA] =	sst s10  }
0x32: {  	s10 =	sld [smem:$0x3FB8];
	_ =	sdelay $0x3  }
0x33: {  	p0 =	seq.s32 s10, $0x1;
	s10 =	sld [smem:$0x3FBA];
	_ =	sdelay $0x3  }
0x34: {  	[smem:$0x3FBA] =	sst s10  }
0x35: {  	s10 =	sld [smem:$0x3FB9];
	_ =	sdelay $0x3  }
0x36: {  	p1 =	seq.s32 s10, $0x1;
	s10 =	sld [smem:$0x3FBA];
	_ =	sdelay $0x3  }
0x37: {  	[smem:$0x3FBA] =	sst s10  }
0x38: {  	s10 =	sld [smem:$0x3FBB]  }
0x39: {  	_ = 	snop;
	(pc) =	sbr.ind lr, $3  }
0x3a: {  	_ = 	snop  }
0x3b: {  	_ = 	snop  }
0x3c: {  	p2 =	seq.s32 s10, $0x1;
	s10 =	sld [smem:$0x3FBA]  }
0x3d: {  	_ =	shalt  }
0x3e: {  	_ =	shalt  }
0x3f: {  	_ =	shalt  }
0x40: {  	_ =	shalt  }
0x41: {  	_ =	shalt  }
0x42: {  	_ =	shalt  }
0x43: {  	_ =	shalt  }
0x44: {  	_ =	shalt  }
0x45: {  	_ =	shalt  }
0x46: {  	_ =	shalt  }
0x47: {  	_ =	shalt  }
0x48: {  	_ =	shalt  }
0x49: {  	_ =	shalt  }
0x4a: {  	_ =	shalt  }
0x4b: {  	_ =	shalt  }
0x4c: {  	_ =	shalt  }
0x4d: {  	_ =	shalt  }
0x4e: {  	_ =	shalt  }
0x4f: {  	_ =	shalt  }
0x50: {  	_ =	shalt  }
0x51: {  	_ =	shalt  }
0x52: {  	_ =	shalt  }
0x53: {  	_ =	shalt  }
0x54: {  	_ =	shalt  }
0x55: {  	_ =	shalt  }
0x56: {  	_ =	shalt  }
0x57: {  	_ =	shalt  }
0x58: {  	_ =	shalt  }
0x59: {  	_ =	shalt  }
0x5a: {  	_ =	shalt  }
0x5b: {  	_ =	shalt  }
0x5c: {  	_ =	shalt  }
0x5d: {  	_ =	shalt  }
0x5e: {  	_ =	shalt  }
0x5f: {  	_ =	shalt  }
0x60: {  	_ =	shalt  }
0x61: {  	_ =	shalt  }
0x62: {  	_ =	shalt  }
0x63: {  	_ =	shalt  }
0x64: {  	_ =	shalt  }
0x65: {  	_ =	shalt  }
0x66: {  	_ =	shalt  }
0x67: {  	_ =	shalt  }
0x68: {  	_ =	shalt  }
0x69: {  	_ =	shalt  }
0x6a: {  	_ =	shalt  }
0x6b: {  	_ =	shalt  }
0x6c: {  	_ =	shalt  }
0x6d: {  	_ =	shalt  }
0x6e: {  	_ =	shalt  }
0x6f: {  	_ =	shalt  }
0x70: {  	_ =	shalt  }
0x71: {  	_ =	shalt  }
0x72: {  	_ =	shalt  }
0x73: {  	_ =	shalt  }
0x74: {  	_ =	shalt  }
0x75: {  	_ =	shalt  }
0x76: {  	_ =	shalt  }
0x77: {  	_ =	shalt  }
0x78: {  	_ =	shalt  }
0x79: {  	_ =	shalt  }
0x7a: {  	_ =	shalt  }
0x7b: {  	_ =	shalt  }
0x7c: {  	_ =	shalt  }
0x7d: {  	_ =	shalt  }
0x7e: {  	_ =	shalt  }
0x7f: {  	_ =	shalt  }
0x80: {  	_ =	shalt  }
0x81: {  	_ =	shalt  }
0x82: {  	_ =	shalt  }
0x83: {  	_ =	shalt  }
0x84: {  	_ =	shalt  }
0x85: {  	_ =	shalt  }
0x86: {  	_ =	shalt  }
0x87: {  	_ =	shalt  }
.Lfunc_end0:
.L_simem_size_0:
called_computation_lowered:
.L_overlay_start_0:
0x88: {  	s2 =	sld [smem:$0x3FD9]  }
0x89: {  	s3 =	sld [smem:$0x3FFE];
	_ =	sdelay $0x1  }
0x8a: {  	s1 =	srdreg.scid  }
0x8b: {  	s0 =	sand.u32 $0x1, s1  }
0x8c: {  	s18 =	sshll.u32 s0, $0xA;
	s2 =	sadd.s32 s3, s2  }
0x8d: {  	s2 =	sadd.s32 s2, s18  }
0x8e: {  	[smem:$0x3FC6] =	sst s2  }
0x8f: {  	_ = 	snop  }
0x90: {  	s2 =	sld [smem:$0x3FC9]  }
0x91: {  	s19 =	sld [smem:$0x3FC8]  }
0x92: {  	s4 =	sld [smem:$0x3FD0];
	(tm) =	ssettm $0x1  }
0x93: {  	s5 =	sld [smem:$0x3FFB];
	_ =	sdelay $0x3  }
0x94: {  	_ =	strace s5  }
0x95: {  	s5 =	sld [smem:$0x3FFC];
	_ =	sdelay $0x3  }
0x96: {  	_ =	strace s5  }
0x97: {  	s5 =	sld [smem:$0x3FFD];
	_ =	sdelay $0x3  }
0x98: {  	_ =	strace s5  }
0x99: {  	_ =	strace $0x8FFFFFFF  }
0x9a: {  	s20 =	sld [smem:$0x3FDB];
	_ =	sdelay $0x1  }
0x9b: {  	s6 =	simm.s32 $_scs_section_size  }
0x9c: {  	s7 =	simm.s32 $_size__tile_overlayer_lowered;
	s8 =	simm.s32 $_tile_overlayer_lowered  }
0x9d: {  	s23 =	simm.s32 $0x1BFF;
	s22 =	sshll.u32 s8, $0x1;
	s5 =	sadd.s32 s6, s20  }
0x9e: {  	s9 =	simm.s32 $0x0;
	s21 =	sshll.u32 s7, $0x1;
	s7 =	sadd.s32 s22, s5  }
0x9f: {  	[timem:s9], [sflag:s23] =	dma.local [hbm:s7], s21  }
0xa0: {  	_ =	swait.ge [sflag:s23], s21  }
0xa1: {  	s6 =	ssub.s32 $0x0, s21;
	[sflag:s23] =	ssyncset.done $0x0  }
0xa2: {  	[sflag:s23] =	ssyncadd.s32 s6;
	_ =	sdelay $0x1  }
0xa3: {  	s24 =	simm.s32 $0x1B8B  }
0xa4: {  	_ =	swait.ge [sflag:s24], $0x1  }
0xa5: {  	[sflag:s24] =	ssyncset.done $0x0  }
0xa6: {  	s25 =	simm.s32 $0x1B8E;
	[sflag:s24] =	ssyncadd.s32 $0xFFFFFFFF  }
0xa7: {  	s26 =	simm.s32 $execute0_lowered;
	[smem:$0x3FD2] =	sst s25  }
0xa8: {  	s6 =	sshll.u32 s26, $0x1;
	_ =	strace $0x80000046;
	[dreg:$0x1] =	wrdreg $0xFFFFFFFF  }
0xa9: {  	s28 =	simm.s32 $_size_execute0_lowered;
	s5 =	sadd.s32 s5, s6;
	[dreg:$0x0] =	wrdreg $0x0  }
0xaa: {  	s6 =	sshll.u32 s28, $0x1;
	[dreg:$0x2] =	wrdreg s5  }
0xab: {  	[dreg:$0x3] =	wrdreg s6  }
0xac: {  	[dreg:$0x4] =	wrdreg $0xC0  }
0xad: {  	_ =	task [dreg:s9], $0x5FFFF  }
0xae: {  	[dreg:$0x1] =	wrdreg $0xFFFFFFFF  }
0xaf: {  	[dreg:$0x0] =	wrdreg $0x60  }
0xb0: {  	[dreg:$0x2] =	wrdreg s2  }
0xb1: {  	[dreg:$0x3] =	wrdreg s19  }
0xb2: {  	[dreg:$0x4] =	wrdreg s4  }
0xb3: {  	[dreg:$0x5] =	wrdreg $0x9  }
0xb4: {  	_ =	task.clear_ibuf [dreg:s9], $0x6FFFF;
	_ =	strace $0x90000046  }
0xb5: {  	s29 =	simm.s32 $0x9;
	_ =	strace $0x80000048  }
0xb6: {  	_ =	swait.ge [sflag:s29], $0x1  }
0xb7: {  	[sflag:s29] =	ssyncadd.s32 $0xFFFFFFFF  }
0xb8: {  	_ =	strace $0x90000048  }
0xb9: {  	_ =	sfence  }
0xba: {  	s30 =	sld [smem:$0x0];
	_ =	sdelay $0x2  }
0xbb: {  	s31 =	sshll.u32 s1, $0xD;
	s1 =	sshrl.u32 s1, $0x2  }
0xbc: {  	s3 =	sand.u32 $0x4000, s31;
	s1 =	sadd.s32 s1, s30  }
0xbd: {  	s0 =	sor.u32 s3, s0;
	s1 =	sshll.u32 s1, $0x11  }
0xbe: {  	s0 =	sor.u32 s1, s0  }
0xbf: {  	s0 =	sadd.s32 $0x8F2B, s0  }
0xc0: {  	[sflag:s0] =	ssyncadd.remote.s32 $0x1  }
0xc1: {  	_ =	sfence.sel $0xFFFF  }
0xc2: {  	[dreg:$0x0] =	wrdreg $0xFFFFFFFF;
	(pc) =	sbr.abs _section_cstart, $3  }
0xc3: {  	[dreg:$0x1] =	wrdreg $0xFFFFFFFF  }
0xc4: {  	_ =	task.clear_ibuf [dreg:s9], $0x2FFFF;
	_ =	strace $0x9FFFFFFF  }
0xc5: {  	(tm) =	ssettm $0x7FFFFFFF  }
tec
execute0_lowered:
.L_overlay_start_1:
0x0: {  	(tag) =	ssettag $0x1  }
0x1: {  	s0 =	rddreg [dreg:$0x0]  }
0x2: {  	s24 =	rddreg [dreg:$0x1]  }
0x3: {  	s1 =	rddreg [dreg:$0x2]  }
0x4: {  	s3 =	simm.s32 $0x0;
	s2 =	srdreg.scid;
	s7 =	stileid.u32  }
0x5: {  	s25 =	simm.s32 $0x100;
	s30 =	simm.s32 $0x2;
	[smem:$0x7FF] =	sst s3  }
0x6: {  	s2 =	sand.u32 $0x1, s2;
	s4 =	sshll.u32 s7, $0x1;
	s28 =	sshll.u32 s7, $0x6  }
0x7: {  	s22 =	sadd.s32 $0x100, s24;
	s23 =	sadd.s32 $0x200, s24;
	s24 =	sadd.s32 $0x300, s24  }
0x8: {  	_ =	strace $0x80000047;
	s5 =	ssub.s32 $0x2, s2;
	s2 =	sor.u32 s2, s4  }
0x9: {  	s4 =	sand.u32 $0x300, s28;
	s6 =	sshrl.u32 s5, $0x1;
	s29 =	sshll.u32 s2, $0x4  }
0xa: {  	s2 =	sshll.u32 s2, $0xB;
	s0 =	sadd.s32 s0, s4;
	s7 =	sand.u32 $0x70, s29  }
0xb: {  	s4 =	sadd.s32 s1, s2;
	s31 =	ssub.s32 s5, s6;
	s2 =	simm.s32 $0x1  }
0xc: {  	s1 =	simm.s32 $0x0;
	s5 =	sadd.s32 s7, s0;
	s6 =	sadd.s32 $0x10000, s4  }
0xd: {  	s7 =	sadd.s32 $0x20000, s4;
	s8 =	sadd.s32 $0x30000, s4;
	s9 =	sadd.s32 $0x40000, s4  }
0xe: {  	s10 =	sadd.s32 $0x50000, s4;
	s11 =	sadd.s32 $0x60000, s4;
	s12 =	sadd.s32 $0x70000, s4  }
0xf: {  	s13 =	sadd.s32 $0x80000, s4;
	s14 =	sadd.s32 $0x90000, s4;
	s15 =	sadd.s32 $0xA0000, s4  }
0x10: {  	s16 =	sadd.s32 $0xB0000, s4;
	s17 =	sadd.s32 $0xC0000, s4;
	s18 =	sadd.s32 $0xD0000, s4  }
0x11: {  	s19 =	sadd.s32 $0xE0000, s4;
	s20 =	sadd.s32 $0xF0000, s4;
	s21 =	smax.u32 s31, $0x1  }
.LBB2_1:
0x12: {  	s0 =	rddreg [dreg:$0x1]  }
0x13: {  	[tilespmem:s25], [sflag:$0x2] =	stream.linear.gather [hbm4b:s0+s3], $0x800, $0x38;
	[tilespmem:$0x4100] =	vst v63  }
0x14: {  	s26 =	simm.s32 $0x1100  }
0x15: {  	[tilespmem:s26], [sflag:$0x2] =	stream.linear.gather [hbm4b:s22+s3], $0x800, $0x38;
	[tilespmem:$0x4100] =	vst v63  }
0x16: {  	s26 =	simm.s32 $0x2100  }
0x17: {  	[tilespmem:s26], [sflag:$0x2] =	stream.linear.gather [hbm4b:s23+s3], $0x800, $0x38;
	[tilespmem:$0x4100] =	vst v63  }
0x18: {  	s26 =	simm.s32 $0x3100  }
0x19: {  	[tilespmem:s26], [sflag:$0x2] =	stream.linear.gather [hbm4b:s24+s3], $0x800, $0x38;
	[tilespmem:$0x4100] =	vst v63  }
0x1a: {  	_ =	swait.ge [sflag:s30], $0x2000  }
0x1b: {  	[sflag:s30] =	ssyncset.done $0x0  }
0x1c: {  	s0 =	simm.s32 $0x80;
	s26 =	simm.s32 $0x400;
	[sflag:s30] =	ssyncadd.s32 $0xFFFFE000  }
0x1d: {  	[tilespmem:s3], [sflag:$0x2] =	stream.strided.gather [hbm4b:s5+s0], $0x100, s26, s0, $0x38;
	[tilespmem:$0x4100] =	vst v63  }
0x1e: {  	_ =	swait.ge [sflag:s30], $0x100  }
0x1f: {  	[sflag:s30] =	ssyncset.done $0x0  }
0x20: {  	[sflag:s30] =	ssyncadd.s32 $0xFFFFFF00  }
0x21: {  	v0 =	vld [tilespmem:$0x0]  }
0x22: {  	v1 =	vld [tilespmem:$0x10]  }
0x23: {  	v2 =	vld [tilespmem:$0x20]  }
0x24: {  	v3 =	vld [tilespmem:$0x30]  }
0x25: {  	v4 =	vld [tilespmem:$0x40]  }
0x26: {  	v5 =	vld [tilespmem:$0x50]  }
0x27: {  	v6 =	vld [tilespmem:$0x60]  }
0x28: {  	v7 =	vld [tilespmem:$0x70]  }
0x29: {  	v8 =	vld [tilespmem:$0x80]  }
0x2a: {  	v9 =	vld [tilespmem:$0x90]  }
0x2b: {  	v15 =	vld [tilespmem:$0xF0]  }
0x2c: {  	v10 =	vld [tilespmem:$0xA0]  }
0x2d: {  	v11 =	vld [tilespmem:$0xB0]  }
0x2e: {  	s0 =	sand.u32 $0x3000, s3;
	s26 =	sand.u32 $0x380, s3;
	v12 =	vld [tilespmem:$0xC0]  }
0x2f: {  	s26 =	sor.u32 s26, s0;
	v13 =	vld [tilespmem:$0xD0]  }
0x30: {  	v14 =	vld [tilespmem:$0xE0];
	[tilespmem:s26+$0xD70] =	vst v15  }
0x31: {  	[tilespmem:s26+$0x900] =	vst v0  }
0x32: {  	[tilespmem:s26+$0x910] =	vst v1  }
0x33: {  	[tilespmem:s26+$0x920] =	vst v2  }
0x34: {  	[tilespmem:s26+$0x930] =	vst v3  }
0x35: {  	[tilespmem:s26+$0x940] =	vst v4  }
0x36: {  	[tilespmem:s26+$0x950] =	vst v5  }
0x37: {  	[tilespmem:s26+$0x960] =	vst v6  }
0x38: {  	[tilespmem:s26+$0x970] =	vst v7  }
0x39: {  	[tilespmem:s26+$0xD00] =	vst v8  }
0x3a: {  	[tilespmem:s26+$0xD10] =	vst v9  }
0x3b: {  	[tilespmem:s26+$0xD20] =	vst v10  }
0x3c: {  	[tilespmem:s26+$0xD30] =	vst v11  }
0x3d: {  	s28 =	simm.s32 $0x80;
	s0 =	simm.s32 $0x200;
	[tilespmem:s26+$0xD40] =	vst v12  }
0x3e: {  	s29 =	simm.s32 $0x400;
	s31 =	sand.u32 $0x3000, s0;
	s0 =	sand.u32 $0x380, s28;
	[tilespmem:s26+$0xD50] =	vst v13  }
.LBB2_2:
0x3f: {  	p0 =	sne.s32 s29, $0x3E00;
	[tilespmem:s26+$0xD60] =	vst v14;
	s26 =	sor.u32 s0, s31  }
0x40: {  	[tilespmem:s26+$0xD70] =	vst v15  }
0x41: {  	[tilespmem:s26+$0x900] =	vst v0  }
0x42: {  	[tilespmem:s26+$0x910] =	vst v1  }
0x43: {  	[tilespmem:s26+$0x920] =	vst v2  }
0x44: {  	[tilespmem:s26+$0x930] =	vst v3  }
0x45: {  	[tilespmem:s26+$0x940] =	vst v4  }
0x46: {  	[tilespmem:s26+$0x950] =	vst v5  }
0x47: {  	[tilespmem:s26+$0x960] =	vst v6  }
0x48: {  	[tilespmem:s26+$0x970] =	vst v7  }
0x49: {  	[tilespmem:s26+$0xD00] =	vst v8  }
.Ltmp0:
0x4a: {  	[tilespmem:s26+$0xD10] =	vst v9;
	(pc) =	sbr.rel @p0 .LBB2_2-.Ltmp0, $4  }
0x4b: {  	[tilespmem:s26+$0xD20] =	vst v10  }
0x4c: {  	[tilespmem:s26+$0xD30] =	vst v11  }
0x4d: {  	s28 =	sadd.s32 $0x80, s28;
	[tilespmem:s26+$0xD40] =	vst v12  }
0x4e: {  	s31 =	sand.u32 $0x3000, s29;
	s29 =	sadd.s32 $0x200, s29;
	s0 =	sand.u32 $0x380, s28;
	[tilespmem:s26+$0xD50] =	vst v13  }
0x4f: {  	s0 =	sor.u32 s0, s31;
	[tilespmem:s26+$0xD60] =	vst v14  }
0x50: {  	[tilespmem:s0+$0xD70] =	vst v15  }
0x51: {  	[tilespmem:s0+$0x900] =	vst v0  }
0x52: {  	[tilespmem:s0+$0x910] =	vst v1  }
0x53: {  	[tilespmem:s0+$0x920] =	vst v2  }
0x54: {  	[tilespmem:s0+$0x930] =	vst v3  }
0x55: {  	[tilespmem:s0+$0x940] =	vst v4  }
0x56: {  	[tilespmem:s0+$0x950] =	vst v5  }
0x57: {  	[tilespmem:s0+$0x960] =	vst v6  }
0x58: {  	[tilespmem:s0+$0x970] =	vst v7  }
0x59: {  	[tilespmem:s0+$0xD00] =	vst v8  }
0x5a: {  	[tilespmem:s0+$0xD10] =	vst v9  }
0x5b: {  	[tilespmem:s0+$0xD20] =	vst v10  }
0x5c: {  	[tilespmem:s0+$0xD30] =	vst v11  }
0x5d: {  	[tilespmem:s0+$0xD40] =	vst v12  }
0x5e: {  	[tilespmem:s0+$0xD50] =	vst v13  }
0x5f: {  	[tilespmem:s0+$0xD60] =	vst v14  }
0x60: {  	[hbm4b:s4+s3] =	stream.linear.scatter [tilespmem:s25], [sflag:$0x1], $0x4000, $0x38;
	[tilespmem:$0x4100] =	vst v63  }
0x61: {  	_ = 	snop  }
0x62: {  	[hbm4b:s6+s3] =	stream.linear.scatter [tilespmem:s25], [sflag:$0x1], $0x4000, $0x38;
	[tilespmem:$0x4100] =	vst v63  }
0x63: {  	_ = 	snop  }
0x64: {  	[hbm4b:s7+s3] =	stream.linear.scatter [tilespmem:s25], [sflag:$0x1], $0x4000, $0x38;
	[tilespmem:$0x4100] =	vst v63  }
0x65: {  	_ = 	snop  }
0x66: {  	[hbm4b:s8+s3] =	stream.linear.scatter [tilespmem:s25], [sflag:$0x1], $0x4000, $0x38;
	[tilespmem:$0x4100] =	vst v63  }
0x67: {  	_ = 	snop  }
0x68: {  	[hbm4b:s9+s3] =	stream.linear.scatter [tilespmem:s25], [sflag:$0x1], $0x4000, $0x38;
	[tilespmem:$0x4100] =	vst v63  }
0x69: {  	_ = 	snop  }
0x6a: {  	[hbm4b:s10+s3] =	stream.linear.scatter [tilespmem:s25], [sflag:$0x1], $0x4000, $0x38;
	[tilespmem:$0x4100] =	vst v63  }
0x6b: {  	_ = 	snop  }
0x6c: {  	[hbm4b:s11+s3] =	stream.linear.scatter [tilespmem:s25], [sflag:$0x1], $0x4000, $0x38;
	[tilespmem:$0x4100] =	vst v63  }
0x6d: {  	_ = 	snop  }
0x6e: {  	[hbm4b:s12+s3] =	stream.linear.scatter [tilespmem:s25], [sflag:$0x1], $0x4000, $0x38;
	[tilespmem:$0x4100] =	vst v63  }
0x6f: {  	_ = 	snop  }
0x70: {  	[hbm4b:s13+s3] =	stream.linear.scatter [tilespmem:s25], [sflag:$0x1], $0x4000, $0x38;
	[tilespmem:$0x4100] =	vst v63  }
0x71: {  	_ = 	snop  }
0x72: {  	[hbm4b:s14+s3] =	stream.linear.scatter [tilespmem:s25], [sflag:$0x1], $0x4000, $0x38;
	[tilespmem:$0x4100] =	vst v63  }
0x73: {  	_ = 	snop  }
0x74: {  	[hbm4b:s15+s3] =	stream.linear.scatter [tilespmem:s25], [sflag:$0x1], $0x4000, $0x38;
	[tilespmem:$0x4100] =	vst v63  }
0x75: {  	_ = 	snop  }
0x76: {  	[hbm4b:s16+s3] =	stream.linear.scatter [tilespmem:s25], [sflag:$0x1], $0x4000, $0x38;
	[tilespmem:$0x4100] =	vst v63  }
0x77: {  	_ = 	snop  }
0x78: {  	[hbm4b:s17+s3] =	stream.linear.scatter [tilespmem:s25], [sflag:$0x1], $0x4000, $0x38;
	[tilespmem:$0x4100] =	vst v63  }
0x79: {  	_ = 	snop  }
0x7a: {  	[hbm4b:s18+s3] =	stream.linear.scatter [tilespmem:s25], [sflag:$0x1], $0x4000, $0x38;
	[tilespmem:$0x4100] =	vst v63  }
0x7b: {  	_ = 	snop  }
0x7c: {  	[hbm4b:s19+s3] =	stream.linear.scatter [tilespmem:s25], [sflag:$0x1], $0x4000, $0x38;
	[tilespmem:$0x4100] =	vst v63  }
0x7d: {  	_ = 	snop  }
0x7e: {  	[hbm4b:s20+s3] =	stream.linear.scatter [tilespmem:s25], [sflag:$0x1], $0x4000, $0x38;
	[tilespmem:$0x4100] =	vst v63  }
0x7f: {  	_ =	swait.ge [sflag:s2], $0x4000  }
0x80: {  	[sflag:s2] =	ssyncset.done $0x0  }
0x81: {  	[sflag:s2] =	ssyncadd.s32 $0xFFFFC000  }
0x82: {  	_ =	swait.ge [sflag:s2], $0x4000  }
0x83: {  	[sflag:s2] =	ssyncset.done $0x0  }
0x84: {  	[sflag:s2] =	ssyncadd.s32 $0xFFFFC000  }
0x85: {  	_ =	swait.ge [sflag:s2], $0x4000  }
0x86: {  	[sflag:s2] =	ssyncset.done $0x0  }
0x87: {  	[sflag:s2] =	ssyncadd.s32 $0xFFFFC000  }
0x88: {  	_ =	swait.ge [sflag:s2], $0x4000  }
0x89: {  	[sflag:s2] =	ssyncset.done $0x0  }
0x8a: {  	[sflag:s2] =	ssyncadd.s32 $0xFFFFC000  }
0x8b: {  	_ =	swait.ge [sflag:s2], $0x4000  }
0x8c: {  	[sflag:s2] =	ssyncset.done $0x0  }
0x8d: {  	[sflag:s2] =	ssyncadd.s32 $0xFFFFC000  }
0x8e: {  	_ =	swait.ge [sflag:s2], $0x4000  }
0x8f: {  	[sflag:s2] =	ssyncset.done $0x0  }
0x90: {  	[sflag:s2] =	ssyncadd.s32 $0xFFFFC000  }
0x91: {  	_ =	swait.ge [sflag:s2], $0x4000  }
0x92: {  	[sflag:s2] =	ssyncset.done $0x0  }
0x93: {  	[sflag:s2] =	ssyncadd.s32 $0xFFFFC000  }
0x94: {  	_ =	swait.ge [sflag:s2], $0x4000  }
0x95: {  	[sflag:s2] =	ssyncset.done $0x0  }
0x96: {  	[sflag:s2] =	ssyncadd.s32 $0xFFFFC000  }
0x97: {  	_ =	swait.ge [sflag:s2], $0x4000  }
0x98: {  	[sflag:s2] =	ssyncset.done $0x0  }
0x99: {  	[sflag:s2] =	ssyncadd.s32 $0xFFFFC000  }
0x9a: {  	_ =	swait.ge [sflag:s2], $0x4000  }
0x9b: {  	[sflag:s2] =	ssyncset.done $0x0  }
0x9c: {  	[sflag:s2] =	ssyncadd.s32 $0xFFFFC000  }
0x9d: {  	_ =	swait.ge [sflag:s2], $0x4000  }
0x9e: {  	[sflag:s2] =	ssyncset.done $0x0  }
0x9f: {  	[sflag:s2] =	ssyncadd.s32 $0xFFFFC000  }
0xa0: {  	_ =	swait.ge [sflag:s2], $0x4000  }
0xa1: {  	[sflag:s2] =	ssyncset.done $0x0  }
0xa2: {  	[sflag:s2] =	ssyncadd.s32 $0xFFFFC000  }
0xa3: {  	_ =	swait.ge [sflag:s2], $0x4000  }
0xa4: {  	[sflag:s2] =	ssyncset.done $0x0  }
0xa5: {  	[sflag:s2] =	ssyncadd.s32 $0xFFFFC000  }
0xa6: {  	_ =	swait.ge [sflag:s2], $0x4000  }
0xa7: {  	[sflag:s2] =	ssyncset.done $0x0  }
0xa8: {  	s1 =	sadd.s32 $0x1, s1;
	[sflag:s2] =	ssyncadd.s32 $0xFFFFC000  }
0xa9: {  	p0 =	sne.s32 s1, s21;
	_ =	swait.ge [sflag:s2], $0x4000  }
.Ltmp1:
0xaa: {  	[sflag:s2] =	ssyncset.done $0x0;
	(pc) =	sbr.rel @p0 .LBB2_1-.Ltmp1, $4  }
0xab: {  	[sflag:s2] =	ssyncadd.s32 $0xFFFFC000  }
0xac: {  	_ =	swait.ge [sflag:s2], $0x4000  }
0xad: {  	[sflag:s2] =	ssyncset.done $0x0  }
0xae: {  	[sflag:s2] =	ssyncadd.s32 $0xFFFFC000  }
0xaf: {  	_ =	sfence.sel $0x180000  }
0xb0: {  	[bflag:$0x0] =	sbarrier.arrive $0xFFFF  }
0xb1: {  	_ =	strace $0x90000047  }
0xb2: {  	s0 =	stileid.u32;
	[bflag:$0x2] =	sbarrier.arrive $0xFFFF  }
0xb3: {  	p0 =	sne.s32 s0, $0x0;
	s0 =	rddreg [dreg:$0x3]  }
0xb4: {  	s0 =	sadd.s32 @!p0 $0x100000, s0  }
0xb5: {  	[sflag:s0] =	ssyncadd.tile.s32 @!p0 $0x1;
	_ =	shalt  }
.Lfunc_end2:
_tile_overlayer_lowered:
.L_overlay_start_2:
0xb6: {  	(tag) =	ssettag $0x2  }
0xb7: {  	s0 =	rddreg [dreg:$0x0];
	s2 =	stileid.u32  }
0xb8: {  	s1 =	rddreg [dreg:$0x1];
	p0 =	sne.s32 s2, $0x0  }
0xb9: {  	s3 =	rddreg [dreg:$0x2];
	[bflag:$0x3] =	sbarrier.arrive $0xFFFF;
	s2 =	simm.s32 @!p0 $0x1C02  }
0xba: {  	[timem:s3], [sflag:s2] =	dma.local @!p0 [hbm:s0], s1  }
0xbb: {  	s0 =	simm.s32 @!p0 $0x2  }
0xbc: {  	_ =	swait.ge @!p0 [sflag:s0], s1  }
0xbd: {  	s1 =	ssub.s32 @!p0 $0x0, s1;
	[sflag:s0] =	ssyncset.done @!p0 $0x0  }
0xbe: {  	[sflag:s0] =	ssyncadd.s32 @!p0 s1  }
0xbf: {  	[bflag:$0x3] =	sbarrier.arrive $0xFFFF  }
0xc0: {  	_ =	shalt  }

</sc_bundles>
